<compile_context>
chip_gen: v7x
topology: tpu7x:2x2x1
jax: 0.10.2.dev20260603
libtpu: 0.0.44.dev20260713+nightly
codegen_flags: <defaults>
</compile_context>

<pallas_src>
import jax
import jax.numpy as jnp
from jax import lax
from jax.experimental import pallas as pl
from jax.experimental.pallas import tpu as pltpu
from jax.experimental.pallas import tpu_sc as plsc

IN_FEATURES = 4096
OUT_FEATURES = 16384
FAN_OUT = 4096

NUM_CORES = 2
NUM_SUBCORES = 16
LANES = 16
NUM_WORKERS = NUM_CORES * NUM_SUBCORES
ROWS_PER_WORKER = IN_FEATURES // NUM_WORKERS
CHUNK_ROWS = 2
NUM_CHUNKS = ROWS_PER_WORKER // CHUNK_ROWS
NBUF = 4
VECS_PER_ROW = FAN_OUT // LANES


def _sc_body(x_hbm, w_hbm, t_hbm, out_hbm,
             x_v, w_buf, t_buf, acc,
             sem_w0, sem_w1, sem_w2, sem_w3,
             sem_t0, sem_t1, sem_t2, sem_t3):
  wid = lax.axis_index("s") * NUM_CORES + lax.axis_index("c")
  row0 = wid * ROWS_PER_WORKER

  w_sems = (sem_w0, sem_w1, sem_w2, sem_w3)
  t_sems = (sem_t0, sem_t1, sem_t2, sem_t3)

  pltpu.sync_copy(x_hbm.at[pl.ds(row0, ROWS_PER_WORKER)],
                  x_v.at[pl.ds(0, ROWS_PER_WORKER)])

  zeros16 = jnp.zeros((LANES,), jnp.float32)

  @plsc.parallel_loop(0, OUT_FEATURES // LANES, unroll=8)
  def _zero(i):
    acc[pl.ds(i * LANES, LANES)] = zeros16

  def start_fill(slot, c):
    row = row0 + c * CHUNK_ROWS
    pltpu.async_copy(w_hbm.at[pl.ds(row, CHUNK_ROWS), :], w_buf.at[slot],
                     w_sems[slot])
    pltpu.async_copy(t_hbm.at[pl.ds(row, CHUNK_ROWS), :], t_buf.at[slot],
                     t_sems[slot])

  def wait_fill(slot):
    pltpu.make_async_copy(w_hbm.at[pl.ds(0, CHUNK_ROWS), :], w_buf.at[slot],
                          w_sems[slot]).wait()
    pltpu.make_async_copy(t_hbm.at[pl.ds(0, CHUNK_ROWS), :], t_buf.at[slot],
                          t_sems[slot]).wait()

  for slot in range(NBUF):
    start_fill(slot, slot)

  @pl.loop(0, NUM_CHUNKS, step=NBUF)
  def _chunks(g):
    for slot in range(NBUF):
      c = g + slot
      wait_fill(slot)
      for r in range(CHUNK_ROWS):
        win = x_v[pl.ds(c * CHUNK_ROWS + r, LANES)]
        xvec = jnp.full((LANES,), win[0], jnp.float32)

        @plsc.parallel_loop(0, VECS_PER_ROW, unroll=16)
        def _vecs(k):
          w16 = w_buf[slot, r, pl.ds(k * LANES, LANES)]
          t16 = t_buf[slot, r, pl.ds(k * LANES, LANES)]
          plsc.addupdate_scatter(acc, [t16], w16 * xvec)

      @pl.when(c + NBUF < NUM_CHUNKS)
      def _():
        start_fill(slot, c + NBUF)

  pltpu.sync_copy(acc, out_hbm.at[wid])


@jax.jit
def _sc_scatter(x, weights, targets):
  mesh = plsc.VectorSubcoreMesh(core_axis_name="c", subcore_axis_name="s")
  kernel_fn = pl.kernel(
      _sc_body,
      out_type=jax.ShapeDtypeStruct((NUM_WORKERS, OUT_FEATURES), jnp.float32),
      mesh=mesh,
      scratch_types=[
          pltpu.VMEM((ROWS_PER_WORKER + LANES,), jnp.float32),
          pltpu.VMEM((NBUF, CHUNK_ROWS, FAN_OUT), jnp.float32),
          pltpu.VMEM((NBUF, CHUNK_ROWS, FAN_OUT), jnp.int32),
          pltpu.VMEM((OUT_FEATURES,), jnp.float32),
          pltpu.SemaphoreType.DMA,
          pltpu.SemaphoreType.DMA,
          pltpu.SemaphoreType.DMA,
          pltpu.SemaphoreType.DMA,
          pltpu.SemaphoreType.DMA,
          pltpu.SemaphoreType.DMA,
          pltpu.SemaphoreType.DMA,
          pltpu.SemaphoreType.DMA,
      ],
      compiler_params=pltpu.CompilerParams(needs_layout_passes=False),
  )
  return kernel_fn(x, weights, targets)


def _tc_sum_body(p_ref, o_ref):
  o_ref[...] = jnp.sum(p_ref[...], axis=0)


@jax.jit
def _tc_sum(partials):
  return pl.pallas_call(
      _tc_sum_body,
      out_shape=jax.ShapeDtypeStruct((OUT_FEATURES,), jnp.float32),
  )(partials)


def kernel(x, weights, targets):
  targets = targets.astype(jnp.int32)
  partials = _sc_scatter(x, weights, targets)
  return _tc_sum(partials)

# --- scband reference (transcript-rebuilt; emitter-appended) ---
"""Pipeline reference for scband-procedural-layer-cached-78778290143896 (READ-ONLY COPY).

The authoritative reference and input builder live on the scoring server;
editing this copy changes nothing except your own understanding.
"""

import jax, jax.numpy as jnp
import numpy as np

IN_FEATURES = 4096
OUT_FEATURES = 16384
FAN_OUT = 4096  # int(16384 * 0.25)


def setup_inputs(seed: int = 0) -> dict:
    key = jax.random.key(seed)
    k1, k2, k3 = jax.random.split(key, 3)
    x = jax.random.normal(k1, (IN_FEATURES,), dtype=jnp.float32)
    weights = jax.random.normal(k2, (IN_FEATURES, FAN_OUT), dtype=jnp.float32) * 0.1
    # Original module builds per-row permutations of out indices; random in-range
    # indices are statistically equivalent for the scatter-add access pattern.
    targets = jax.random.randint(k3, (IN_FEATURES, FAN_OUT), 0, OUT_FEATURES, dtype=jnp.int64) if jax.config.jax_enable_x64 else jax.random.randint(k3, (IN_FEATURES, FAN_OUT), 0, OUT_FEATURES, dtype=jnp.int32)
    return {"x": x, "weights": weights, "targets": targets}


def reference(x, weights, targets):
    # weighted = x.unsqueeze(1) * self.weights
    weighted = x[:, None] * weights  # [in_features, fan_out]
    # out = zeros(out_features); out.scatter_add_(0, targets.reshape(-1), weighted.reshape(-1))
    out = jnp.zeros((OUT_FEATURES,), dtype=jnp.float32)
    out = out.at[targets.reshape(-1)].add(weighted.reshape(-1))
    return out

if __name__ == "__main__":
    import jax
    _d = setup_inputs()
    print(jax.jit(kernel)(*tuple(_d.values())))

</pallas_src>

<mosaic_0001>
#map = affine_map<(d0, d1) -> (0)>
#map1 = affine_map<(d0, d1) -> (0, 0)>
module attributes {stable_mosaic.version = 14 : i64} {
  func.func @_sc_body(%arg0: i32, %arg1: i32, %arg2: memref<4096xf32, #tpu.memory_space<hbm>>, %arg3: memref<4096x4096xf32, #tpu.memory_space<hbm>>, %arg4: memref<4096x4096xi32, #tpu.memory_space<hbm>>, %arg5: memref<32x16384xf32, #tpu.memory_space<hbm>>, %arg6: memref<144xf32, #tpu.memory_space<vmem>>, %arg7: memref<4x2x4096xf32, #tpu.memory_space<vmem>>, %arg8: memref<4x2x4096xi32, #tpu.memory_space<vmem>>, %arg9: memref<16384xf32, #tpu.memory_space<vmem>>, %arg10: memref<!tpu.dma_semaphore, #tpu.memory_space<semaphore_mem>>, %arg11: memref<!tpu.dma_semaphore, #tpu.memory_space<semaphore_mem>>, %arg12: memref<!tpu.dma_semaphore, #tpu.memory_space<semaphore_mem>>, %arg13: memref<!tpu.dma_semaphore, #tpu.memory_space<semaphore_mem>>, %arg14: memref<!tpu.dma_semaphore, #tpu.memory_space<semaphore_mem>>, %arg15: memref<!tpu.dma_semaphore, #tpu.memory_space<semaphore_mem>>, %arg16: memref<!tpu.dma_semaphore, #tpu.memory_space<semaphore_mem>>, %arg17: memref<!tpu.dma_semaphore, #tpu.memory_space<semaphore_mem>>) attributes {dimension_semantics = [#tpu.dimension_semantics<core_parallel>, #tpu.dimension_semantics<subcore_parallel>], iteration_bounds = array<i64: 2, 16>, scalar_prefetch = 0 : i64, scratch_operands = 12 : i64, tpu.core_type = #tpu.core_type<sc_vector_subcore>, window_params = [{transform_indices = #map}, {transform_indices = #map1}, {transform_indices = #map1}, {transform_indices = #map1}]} {
    %mul3A = arith.constant 2 : i32
    %mul3A_0 = arith.muli %arg1, %mul3A : i32
    %add3A = arith.addi %mul3A_0, %arg0 : i32
    %mul3A_1 = arith.constant 128 : i32
    %mul3A_2 = arith.muli %add3A, %mul3A_1 : i32
    "tpu.region"() ({
      %run_scoped3A = tpu.sem_alloc : memref<!tpu.dma_semaphore, #tpu.memory_space<semaphore_mem>>
      %dma_start3A_121 = arith.constant 0 : i32
      %dma_start3A_122 = tpu.memref_slice %arg6[%dma_start3A_121] : memref<144xf32, #tpu.memory_space<vmem>> -> memref<128xf32, #tpu.memory_space<vmem>>
      %dma_start3A_123 = tpu.memref_slice %arg2[%mul3A_2] : memref<4096xf32, #tpu.memory_space<hbm>> -> memref<128xf32, #tpu.memory_space<hbm>>
      %dma_start3A_124 = arith.constant 0 : i32
      %dma_start3A_125 = tpu.memref_slice %arg6[%dma_start3A_124] : memref<144xf32, #tpu.memory_space<vmem>> -> memref<128xf32, #tpu.memory_space<vmem>>
      %dma_start3A_126 = tpu.memref_slice %arg2[%mul3A_2] : memref<4096xf32, #tpu.memory_space<hbm>> -> memref<128xf32, #tpu.memory_space<hbm>>
      tpu.enqueue_dma source(%dma_start3A_126 : memref<128xf32, #tpu.memory_space<hbm>>) target(%dma_start3A_125 : memref<128xf32, #tpu.memory_space<vmem>>) target_semaphore(%run_scoped3A : memref<!tpu.dma_semaphore, #tpu.memory_space<semaphore_mem>>)
      %dma_wait3A = arith.constant 0 : i32
      %dma_wait3A_127 = tpu.memref_slice %arg6[%dma_wait3A] : memref<144xf32, #tpu.memory_space<vmem>> -> memref<128xf32, #tpu.memory_space<vmem>>
      %dma_wait3A_128 = tpu.memref_slice %arg2[%mul3A_2] : memref<4096xf32, #tpu.memory_space<hbm>> -> memref<128xf32, #tpu.memory_space<hbm>>
      %dma_wait3A_129 = arith.constant 0 : i32
      %dma_wait3A_130 = tpu.memref_slice %arg6[%dma_wait3A_129] : memref<144xf32, #tpu.memory_space<vmem>> -> memref<128xf32, #tpu.memory_space<vmem>>
      %dma_wait3A_131 = tpu.memref_slice %arg2[%mul3A_2] : memref<4096xf32, #tpu.memory_space<hbm>> -> memref<128xf32, #tpu.memory_space<hbm>>
      tpu.wait_dma2 semaphore(%run_scoped3A : memref<!tpu.dma_semaphore, #tpu.memory_space<semaphore_mem>>) src(%dma_wait3A_131 : memref<128xf32, #tpu.memory_space<hbm>>) dst(%dma_wait3A_130 : memref<128xf32, #tpu.memory_space<vmem>>)
      tpu.yield
    }) : () -> ()
    %broadcast_in_dim3A = arith.constant 0.000000e+00 : f32
    %broadcast_in_dim3A_3 = vector.broadcast %broadcast_in_dim3A : f32 to vector<16xf32>
    %parallel_loop3A = arith.constant 0 : i32
    %parallel_loop3A_4 = arith.constant 1024 : i32
    %parallel_loop3A_5 = arith.constant 1 : i32
    scf.for %parallel_loop3A_121 = %parallel_loop3A to %parallel_loop3A_4 step %parallel_loop3A_5  : i32 {
      %parallel_loop3A_122 = arith.constant 16 : i32
      %parallel_loop3A_123 = arith.muli %parallel_loop3A_121, %parallel_loop3A_122 : i32
      %parallel_loop3A_124 = arith.index_cast %parallel_loop3A_123 : i32 to index
      %parallel_loop3A_125 = tpu.vector_load %arg9[%parallel_loop3A_124] {strides = array<i32>} : memref<16384xf32, #tpu.memory_space<vmem>>, vector<16xf32>,
      tpu.vector_store %arg9[%parallel_loop3A_124], %broadcast_in_dim3A_3 {strides = array<i32>} : memref<16384xf32, #tpu.memory_space<vmem>>, vector<16xf32>,
    } {sc.loop_unroll_factor = 8 : i64, sc.parallel_access}
    %add3A_6 = arith.constant 0 : i32
    %add3A_7 = arith.addi %mul3A_2, %add3A_6 : i32
    %dma_start3A = arith.constant 0 : i32
    %dma_start3A_8 = arith.constant 0 : i32
    %dma_start3A_9 = arith.constant 0 : i32
    %dma_start3A_10 = tpu.memref_slice %arg7[%dma_start3A, %dma_start3A_8, %dma_start3A_9] : memref<4x2x4096xf32, #tpu.memory_space<vmem>> -> memref<1x2x4096xf32, #tpu.memory_space<vmem>>
    %dma_start3A_11 = tpu.memref_squeeze %dma_start3A_10 : memref<1x2x4096xf32, #tpu.memory_space<vmem>> -> memref<2x4096xf32, #tpu.memory_space<vmem>>
    %dma_start3A_12 = arith.constant 0 : i32
    %dma_start3A_13 = tpu.memref_slice %arg3[%add3A_7, %dma_start3A_12] : memref<4096x4096xf32, #tpu.memory_space<hbm>> -> memref<2x4096xf32, #tpu.memory_space<hbm>>
    %dma_start3A_14 = arith.constant 0 : i32
    %dma_start3A_15 = arith.constant 0 : i32
    %dma_start3A_16 = tpu.memref_slice %arg7[%dma_start3A, %dma_start3A_14, %dma_start3A_15] : memref<4x2x4096xf32, #tpu.memory_space<vmem>> -> memref<1x2x4096xf32, #tpu.memory_space<vmem>>
    %dma_start3A_17 = tpu.memref_squeeze %dma_start3A_16 : memref<1x2x4096xf32, #tpu.memory_space<vmem>> -> memref<2x4096xf32, #tpu.memory_space<vmem>>
    %dma_start3A_18 = arith.constant 0 : i32
    %dma_start3A_19 = tpu.memref_slice %arg3[%add3A_7, %dma_start3A_18] : memref<4096x4096xf32, #tpu.memory_space<hbm>> -> memref<2x4096xf32, #tpu.memory_space<hbm>>
    tpu.enqueue_dma source(%dma_start3A_19 : memref<2x4096xf32, #tpu.memory_space<hbm>>) target(%dma_start3A_17 : memref<2x4096xf32, #tpu.memory_space<vmem>>) target_semaphore(%arg10 : memref<!tpu.dma_semaphore, #tpu.memory_space<semaphore_mem>>)
    %dma_start3A_20 = arith.constant 0 : i32
    %dma_start3A_21 = arith.constant 0 : i32
    %dma_start3A_22 = arith.constant 0 : i32
    %dma_start3A_23 = tpu.memref_slice %arg8[%dma_start3A_20, %dma_start3A_21, %dma_start3A_22] : memref<4x2x4096xi32, #tpu.memory_space<vmem>> -> memref<1x2x4096xi32, #tpu.memory_space<vmem>>
    %dma_start3A_24 = tpu.memref_squeeze %dma_start3A_23 : memref<1x2x4096xi32, #tpu.memory_space<vmem>> -> memref<2x4096xi32, #tpu.memory_space<vmem>>
    %dma_start3A_25 = arith.constant 0 : i32
    %dma_start3A_26 = tpu.memref_slice %arg4[%add3A_7, %dma_start3A_25] : memref<4096x4096xi32, #tpu.memory_space<hbm>> -> memref<2x4096xi32, #tpu.memory_space<hbm>>
    %dma_start3A_27 = arith.constant 0 : i32
    %dma_start3A_28 = arith.constant 0 : i32
    %dma_start3A_29 = tpu.memref_slice %arg8[%dma_start3A_20, %dma_start3A_27, %dma_start3A_28] : memref<4x2x4096xi32, #tpu.memory_space<vmem>> -> memref<1x2x4096xi32, #tpu.memory_space<vmem>>
    %dma_start3A_30 = tpu.memref_squeeze %dma_start3A_29 : memref<1x2x4096xi32, #tpu.memory_space<vmem>> -> memref<2x4096xi32, #tpu.memory_space<vmem>>
    %dma_start3A_31 = arith.constant 0 : i32
    %dma_start3A_32 = tpu.memref_slice %arg4[%add3A_7, %dma_start3A_31] : memref<4096x4096xi32, #tpu.memory_space<hbm>> -> memref<2x4096xi32, #tpu.memory_space<hbm>>
    tpu.enqueue_dma source(%dma_start3A_32 : memref<2x4096xi32, #tpu.memory_space<hbm>>) target(%dma_start3A_30 : memref<2x4096xi32, #tpu.memory_space<vmem>>) target_semaphore(%arg14 : memref<!tpu.dma_semaphore, #tpu.memory_space<semaphore_mem>>)
    %add3A_33 = arith.constant 2 : i32
    %add3A_34 = arith.addi %mul3A_2, %add3A_33 : i32
    %dma_start3A_35 = arith.constant 1 : i32
    %dma_start3A_36 = arith.constant 0 : i32
    %dma_start3A_37 = arith.constant 0 : i32
    %dma_start3A_38 = tpu.memref_slice %arg7[%dma_start3A_35, %dma_start3A_36, %dma_start3A_37] : memref<4x2x4096xf32, #tpu.memory_space<vmem>> -> memref<1x2x4096xf32, #tpu.memory_space<vmem>>
    %dma_start3A_39 = tpu.memref_squeeze %dma_start3A_38 : memref<1x2x4096xf32, #tpu.memory_space<vmem>> -> memref<2x4096xf32, #tpu.memory_space<vmem>>
    %dma_start3A_40 = arith.constant 0 : i32
    %dma_start3A_41 = tpu.memref_slice %arg3[%add3A_34, %dma_start3A_40] : memref<4096x4096xf32, #tpu.memory_space<hbm>> -> memref<2x4096xf32, #tpu.memory_space<hbm>>
    %dma_start3A_42 = arith.constant 0 : i32
    %dma_start3A_43 = arith.constant 0 : i32
    %dma_start3A_44 = tpu.memref_slice %arg7[%dma_start3A_35, %dma_start3A_42, %dma_start3A_43] : memref<4x2x4096xf32, #tpu.memory_space<vmem>> -> memref<1x2x4096xf32, #tpu.memory_space<vmem>>
    %dma_start3A_45 = tpu.memref_squeeze %dma_start3A_44 : memref<1x2x4096xf32, #tpu.memory_space<vmem>> -> memref<2x4096xf32, #tpu.memory_space<vmem>>
    %dma_start3A_46 = arith.constant 0 : i32
    %dma_start3A_47 = tpu.memref_slice %arg3[%add3A_34, %dma_start3A_46] : memref<4096x4096xf32, #tpu.memory_space<hbm>> -> memref<2x4096xf32, #tpu.memory_space<hbm>>
    tpu.enqueue_dma source(%dma_start3A_47 : memref<2x4096xf32, #tpu.memory_space<hbm>>) target(%dma_start3A_45 : memref<2x4096xf32, #tpu.memory_space<vmem>>) target_semaphore(%arg11 : memref<!tpu.dma_semaphore, #tpu.memory_space<semaphore_mem>>)
    %dma_start3A_48 = arith.constant 1 : i32
    %dma_start3A_49 = arith.constant 0 : i32
    %dma_start3A_50 = arith.constant 0 : i32
    %dma_start3A_51 = tpu.memref_slice %arg8[%dma_start3A_48, %dma_start3A_49, %dma_start3A_50] : memref<4x2x4096xi32, #tpu.memory_space<vmem>> -> memref<1x2x4096xi32, #tpu.memory_space<vmem>>
    %dma_start3A_52 = tpu.memref_squeeze %dma_start3A_51 : memref<1x2x4096xi32, #tpu.memory_space<vmem>> -> memref<2x4096xi32, #tpu.memory_space<vmem>>
    %dma_start3A_53 = arith.constant 0 : i32
    %dma_start3A_54 = tpu.memref_slice %arg4[%add3A_34, %dma_start3A_53] : memref<4096x4096xi32, #tpu.memory_space<hbm>> -> memref<2x4096xi32, #tpu.memory_space<hbm>>
    %dma_start3A_55 = arith.constant 0 : i32
    %dma_start3A_56 = arith.constant 0 : i32
    %dma_start3A_57 = tpu.memref_slice %arg8[%dma_start3A_48, %dma_start3A_55, %dma_start3A_56] : memref<4x2x4096xi32, #tpu.memory_space<vmem>> -> memref<1x2x4096xi32, #tpu.memory_space<vmem>>
    %dma_start3A_58 = tpu.memref_squeeze %dma_start3A_57 : memref<1x2x4096xi32, #tpu.memory_space<vmem>> -> memref<2x4096xi32, #tpu.memory_space<vmem>>
    %dma_start3A_59 = arith.constant 0 : i32
    %dma_start3A_60 = tpu.memref_slice %arg4[%add3A_34, %dma_start3A_59] : memref<4096x4096xi32, #tpu.memory_space<hbm>> -> memref<2x4096xi32, #tpu.memory_space<hbm>>
    tpu.enqueue_dma source(%dma_start3A_60 : memref<2x4096xi32, #tpu.memory_space<hbm>>) target(%dma_start3A_58 : memref<2x4096xi32, #tpu.memory_space<vmem>>) target_semaphore(%arg15 : memref<!tpu.dma_semaphore, #tpu.memory_space<semaphore_mem>>)
    %add3A_61 = arith.constant 4 : i32
    %add3A_62 = arith.addi %mul3A_2, %add3A_61 : i32
    %dma_start3A_63 = arith.constant 2 : i32
    %dma_start3A_64 = arith.constant 0 : i32
    %dma_start3A_65 = arith.constant 0 : i32
    %dma_start3A_66 = tpu.memref_slice %arg7[%dma_start3A_63, %dma_start3A_64, %dma_start3A_65] : memref<4x2x4096xf32, #tpu.memory_space<vmem>> -> memref<1x2x4096xf32, #tpu.memory_space<vmem>>
    %dma_start3A_67 = tpu.memref_squeeze %dma_start3A_66 : memref<1x2x4096xf32, #tpu.memory_space<vmem>> -> memref<2x4096xf32, #tpu.memory_space<vmem>>
    %dma_start3A_68 = arith.constant 0 : i32
    %dma_start3A_69 = tpu.memref_slice %arg3[%add3A_62, %dma_start3A_68] : memref<4096x4096xf32, #tpu.memory_space<hbm>> -> memref<2x4096xf32, #tpu.memory_space<hbm>>
    %dma_start3A_70 = arith.constant 0 : i32
    %dma_start3A_71 = arith.constant 0 : i32
    %dma_start3A_72 = tpu.memref_slice %arg7[%dma_start3A_63, %dma_start3A_70, %dma_start3A_71] : memref<4x2x4096xf32, #tpu.memory_space<vmem>> -> memref<1x2x4096xf32, #tpu.memory_space<vmem>>
    %dma_start3A_73 = tpu.memref_squeeze %dma_start3A_72 : memref<1x2x4096xf32, #tpu.memory_space<vmem>> -> memref<2x4096xf32, #tpu.memory_space<vmem>>
    %dma_start3A_74 = arith.constant 0 : i32
    %dma_start3A_75 = tpu.memref_slice %arg3[%add3A_62, %dma_start3A_74] : memref<4096x4096xf32, #tpu.memory_space<hbm>> -> memref<2x4096xf32, #tpu.memory_space<hbm>>
    tpu.enqueue_dma source(%dma_start3A_75 : memref<2x4096xf32, #tpu.memory_space<hbm>>) target(%dma_start3A_73 : memref<2x4096xf32, #tpu.memory_space<vmem>>) target_semaphore(%arg12 : memref<!tpu.dma_semaphore, #tpu.memory_space<semaphore_mem>>)
    %dma_start3A_76 = arith.constant 2 : i32
    %dma_start3A_77 = arith.constant 0 : i32
    %dma_start3A_78 = arith.constant 0 : i32
    %dma_start3A_79 = tpu.memref_slice %arg8[%dma_start3A_76, %dma_start3A_77, %dma_start3A_78] : memref<4x2x4096xi32, #tpu.memory_space<vmem>> -> memref<1x2x4096xi32, #tpu.memory_space<vmem>>
    %dma_start3A_80 = tpu.memref_squeeze %dma_start3A_79 : memref<1x2x4096xi32, #tpu.memory_space<vmem>> -> memref<2x4096xi32, #tpu.memory_space<vmem>>
    %dma_start3A_81 = arith.constant 0 : i32
    %dma_start3A_82 = tpu.memref_slice %arg4[%add3A_62, %dma_start3A_81] : memref<4096x4096xi32, #tpu.memory_space<hbm>> -> memref<2x4096xi32, #tpu.memory_space<hbm>>
    %dma_start3A_83 = arith.constant 0 : i32
    %dma_start3A_84 = arith.constant 0 : i32
    %dma_start3A_85 = tpu.memref_slice %arg8[%dma_start3A_76, %dma_start3A_83, %dma_start3A_84] : memref<4x2x4096xi32, #tpu.memory_space<vmem>> -> memref<1x2x4096xi32, #tpu.memory_space<vmem>>
    %dma_start3A_86 = tpu.memref_squeeze %dma_start3A_85 : memref<1x2x4096xi32, #tpu.memory_space<vmem>> -> memref<2x4096xi32, #tpu.memory_space<vmem>>
    %dma_start3A_87 = arith.constant 0 : i32
    %dma_start3A_88 = tpu.memref_slice %arg4[%add3A_62, %dma_start3A_87] : memref<4096x4096xi32, #tpu.memory_space<hbm>> -> memref<2x4096xi32, #tpu.memory_space<hbm>>
    tpu.enqueue_dma source(%dma_start3A_88 : memref<2x4096xi32, #tpu.memory_space<hbm>>) target(%dma_start3A_86 : memref<2x4096xi32, #tpu.memory_space<vmem>>) target_semaphore(%arg16 : memref<!tpu.dma_semaphore, #tpu.memory_space<semaphore_mem>>)
    %add3A_89 = arith.constant 6 : i32
    %add3A_90 = arith.addi %mul3A_2, %add3A_89 : i32
    %dma_start3A_91 = arith.constant 3 : i32
    %dma_start3A_92 = arith.constant 0 : i32
    %dma_start3A_93 = arith.constant 0 : i32
    %dma_start3A_94 = tpu.memref_slice %arg7[%dma_start3A_91, %dma_start3A_92, %dma_start3A_93] : memref<4x2x4096xf32, #tpu.memory_space<vmem>> -> memref<1x2x4096xf32, #tpu.memory_space<vmem>>
    %dma_start3A_95 = tpu.memref_squeeze %dma_start3A_94 : memref<1x2x4096xf32, #tpu.memory_space<vmem>> -> memref<2x4096xf32, #tpu.memory_space<vmem>>
    %dma_start3A_96 = arith.constant 0 : i32
    %dma_start3A_97 = tpu.memref_slice %arg3[%add3A_90, %dma_start3A_96] : memref<4096x4096xf32, #tpu.memory_space<hbm>> -> memref<2x4096xf32, #tpu.memory_space<hbm>>
    %dma_start3A_98 = arith.constant 0 : i32
    %dma_start3A_99 = arith.constant 0 : i32
    %dma_start3A_100 = tpu.memref_slice %arg7[%dma_start3A_91, %dma_start3A_98, %dma_start3A_99] : memref<4x2x4096xf32, #tpu.memory_space<vmem>> -> memref<1x2x4096xf32, #tpu.memory_space<vmem>>
    %dma_start3A_101 = tpu.memref_squeeze %dma_start3A_100 : memref<1x2x4096xf32, #tpu.memory_space<vmem>> -> memref<2x4096xf32, #tpu.memory_space<vmem>>
    %dma_start3A_102 = arith.constant 0 : i32
    %dma_start3A_103 = tpu.memref_slice %arg3[%add3A_90, %dma_start3A_102] : memref<4096x4096xf32, #tpu.memory_space<hbm>> -> memref<2x4096xf32, #tpu.memory_space<hbm>>
    tpu.enqueue_dma source(%dma_start3A_103 : memref<2x4096xf32, #tpu.memory_space<hbm>>) target(%dma_start3A_101 : memref<2x4096xf32, #tpu.memory_space<vmem>>) target_semaphore(%arg13 : memref<!tpu.dma_semaphore, #tpu.memory_space<semaphore_mem>>)
    %dma_start3A_104 = arith.constant 3 : i32
    %dma_start3A_105 = arith.constant 0 : i32
    %dma_start3A_106 = arith.constant 0 : i32
    %dma_start3A_107 = tpu.memref_slice %arg8[%dma_start3A_104, %dma_start3A_105, %dma_start3A_106] : memref<4x2x4096xi32, #tpu.memory_space<vmem>> -> memref<1x2x4096xi32, #tpu.memory_space<vmem>>
    %dma_start3A_108 = tpu.memref_squeeze %dma_start3A_107 : memref<1x2x4096xi32, #tpu.memory_space<vmem>> -> memref<2x4096xi32, #tpu.memory_space<vmem>>
    %dma_start3A_109 = arith.constant 0 : i32
    %dma_start3A_110 = tpu.memref_slice %arg4[%add3A_90, %dma_start3A_109] : memref<4096x4096xi32, #tpu.memory_space<hbm>> -> memref<2x4096xi32, #tpu.memory_space<hbm>>
    %dma_start3A_111 = arith.constant 0 : i32
    %dma_start3A_112 = arith.constant 0 : i32
    %dma_start3A_113 = tpu.memref_slice %arg8[%dma_start3A_104, %dma_start3A_111, %dma_start3A_112] : memref<4x2x4096xi32, #tpu.memory_space<vmem>> -> memref<1x2x4096xi32, #tpu.memory_space<vmem>>
    %dma_start3A_114 = tpu.memref_squeeze %dma_start3A_113 : memref<1x2x4096xi32, #tpu.memory_space<vmem>> -> memref<2x4096xi32, #tpu.memory_space<vmem>>
    %dma_start3A_115 = arith.constant 0 : i32
    %dma_start3A_116 = tpu.memref_slice %arg4[%add3A_90, %dma_start3A_115] : memref<4096x4096xi32, #tpu.memory_space<hbm>> -> memref<2x4096xi32, #tpu.memory_space<hbm>>
    tpu.enqueue_dma source(%dma_start3A_116 : memref<2x4096xi32, #tpu.memory_space<hbm>>) target(%dma_start3A_114 : memref<2x4096xi32, #tpu.memory_space<vmem>>) target_semaphore(%arg17 : memref<!tpu.dma_semaphore, #tpu.memory_space<semaphore_mem>>)
    %scan3A = arith.constant 0 : i32
    %scan3A_117 = arith.constant 16 : i32
    %scan3A_118 = arith.addi %scan3A, %scan3A_117 : i32
    %scan3A_119 = arith.constant 1 : i32
    scf.for %scan3A_121 = %scan3A to %scan3A_118 step %scan3A_119  : i32 {
      %mul3A_122 = arith.constant 4 : i32
      %mul3A_123 = arith.muli %scan3A_121, %mul3A_122 : i32
      %add3A_124 = arith.constant 0 : i32
      %add3A_125 = arith.addi %add3A_124, %mul3A_123 : i32
      %add3A_126 = arith.constant 0 : i32
      %add3A_127 = arith.addi %add3A_125, %add3A_126 : i32
      %dma_wait3A = arith.constant 0 : i32
      %dma_wait3A_128 = arith.constant 0 : i32
      %dma_wait3A_129 = arith.constant 0 : i32
      %dma_wait3A_130 = tpu.memref_slice %arg7[%dma_wait3A, %dma_wait3A_128, %dma_wait3A_129] : memref<4x2x4096xf32, #tpu.memory_space<vmem>> -> memref<1x2x4096xf32, #tpu.memory_space<vmem>>
      %dma_wait3A_131 = tpu.memref_squeeze %dma_wait3A_130 : memref<1x2x4096xf32, #tpu.memory_space<vmem>> -> memref<2x4096xf32, #tpu.memory_space<vmem>>
      %dma_wait3A_132 = arith.constant 0 : i32
      %dma_wait3A_133 = arith.constant 0 : i32
      %dma_wait3A_134 = tpu.memref_slice %arg3[%dma_wait3A_132, %dma_wait3A_133] : memref<4096x4096xf32, #tpu.memory_space<hbm>> -> memref<2x4096xf32, #tpu.memory_space<hbm>>
      %dma_wait3A_135 = arith.constant 0 : i32
      %dma_wait3A_136 = arith.constant 0 : i32
      %dma_wait3A_137 = tpu.memref_slice %arg7[%dma_wait3A, %dma_wait3A_135, %dma_wait3A_136] : memref<4x2x4096xf32, #tpu.memory_space<vmem>> -> memref<1x2x4096xf32, #tpu.memory_space<vmem>>
      %dma_wait3A_138 = tpu.memref_squeeze %dma_wait3A_137 : memref<1x2x4096xf32, #tpu.memory_space<vmem>> -> memref<2x4096xf32, #tpu.memory_space<vmem>>
      %dma_wait3A_139 = arith.constant 0 : i32
      %dma_wait3A_140 = arith.constant 0 : i32
      %dma_wait3A_141 = tpu.memref_slice %arg3[%dma_wait3A_139, %dma_wait3A_140] : memref<4096x4096xf32, #tpu.memory_space<hbm>> -> memref<2x4096xf32, #tpu.memory_space<hbm>>
      tpu.wait_dma2 semaphore(%arg10 : memref<!tpu.dma_semaphore, #tpu.memory_space<semaphore_mem>>) src(%dma_wait3A_141 : memref<2x4096xf32, #tpu.memory_space<hbm>>) dst(%dma_wait3A_138 : memref<2x4096xf32, #tpu.memory_space<vmem>>)
      %dma_wait3A_142 = arith.constant 0 : i32
      %dma_wait3A_143 = arith.constant 0 : i32
      %dma_wait3A_144 = arith.constant 0 : i32
      %dma_wait3A_145 = tpu.memref_slice %arg8[%dma_wait3A_142, %dma_wait3A_143, %dma_wait3A_144] : memref<4x2x4096xi32, #tpu.memory_space<vmem>> -> memref<1x2x4096xi32, #tpu.memory_space<vmem>>
      %dma_wait3A_146 = tpu.memref_squeeze %dma_wait3A_145 : memref<1x2x4096xi32, #tpu.memory_space<vmem>> -> memref<2x4096xi32, #tpu.memory_space<vmem>>
      %dma_wait3A_147 = arith.constant 0 : i32
      %dma_wait3A_148 = arith.constant 0 : i32
      %dma_wait3A_149 = tpu.memref_slice %arg4[%dma_wait3A_147, %dma_wait3A_148] : memref<4096x4096xi32, #tpu.memory_space<hbm>> -> memref<2x4096xi32, #tpu.memory_space<hbm>>
      %dma_wait3A_150 = arith.constant 0 : i32
      %dma_wait3A_151 = arith.constant 0 : i32
      %dma_wait3A_152 = tpu.memref_slice %arg8[%dma_wait3A_142, %dma_wait3A_150, %dma_wait3A_151] : memref<4x2x4096xi32, #tpu.memory_space<vmem>> -> memref<1x2x4096xi32, #tpu.memory_space<vmem>>
      %dma_wait3A_153 = tpu.memref_squeeze %dma_wait3A_152 : memref<1x2x4096xi32, #tpu.memory_space<vmem>> -> memref<2x4096xi32, #tpu.memory_space<vmem>>
      %dma_wait3A_154 = arith.constant 0 : i32
      %dma_wait3A_155 = arith.constant 0 : i32
      %dma_wait3A_156 = tpu.memref_slice %arg4[%dma_wait3A_154, %dma_wait3A_155] : memref<4096x4096xi32, #tpu.memory_space<hbm>> -> memref<2x4096xi32, #tpu.memory_space<hbm>>
      tpu.wait_dma2 semaphore(%arg14 : memref<!tpu.dma_semaphore, #tpu.memory_space<semaphore_mem>>) src(%dma_wait3A_156 : memref<2x4096xi32, #tpu.memory_space<hbm>>) dst(%dma_wait3A_153 : memref<2x4096xi32, #tpu.memory_space<vmem>>)
      %mul3A_157 = arith.constant 2 : i32
      %mul3A_158 = arith.muli %add3A_127, %mul3A_157 : i32
      %add3A_159 = arith.constant 0 : i32
      %add3A_160 = arith.addi %mul3A_158, %add3A_159 : i32
      %get3A = arith.index_cast %add3A_160 : i32 to index
      %get3A_161 = tpu.vector_load %arg6[%get3A] {strides = array<i32>} : memref<144xf32, #tpu.memory_space<vmem>>, vector<16xf32>,
      %slice3A = vector.extract_strided_slice %get3A_161 {offsets = [0], sizes = [1], strides = [1]} : vector<16xf32> to vector<1xf32>
      %squeeze3A = vector.extract %slice3A[0] : f32 from vector<1xf32>
      %broadcast_in_dim3A_162 = vector.broadcast %squeeze3A : f32 to vector<16xf32>
      %parallel_loop3A_163 = arith.constant 0 : i32
      %parallel_loop3A_164 = arith.constant 256 : i32
      %parallel_loop3A_165 = arith.constant 1 : i32
      scf.for %parallel_loop3A_371 = %parallel_loop3A_163 to %parallel_loop3A_164 step %parallel_loop3A_165  : i32 {
        %parallel_loop3A_372 = arith.constant 16 : i32
        %parallel_loop3A_373 = arith.muli %parallel_loop3A_371, %parallel_loop3A_372 : i32
        %parallel_loop3A_374 = arith.constant 0 : i32
        %parallel_loop3A_375 = arith.constant 0 : i32
        %parallel_loop3A_376 = arith.index_cast %parallel_loop3A_374 : i32 to index
        %parallel_loop3A_377 = arith.index_cast %parallel_loop3A_375 : i32 to index
        %parallel_loop3A_378 = arith.index_cast %parallel_loop3A_373 : i32 to index
        %parallel_loop3A_379 = tpu.vector_load %arg7[%parallel_loop3A_376, %parallel_loop3A_377, %parallel_loop3A_378] {strides = array<i32>} : memref<4x2x4096xf32, #tpu.memory_space<vmem>>, vector<16xf32>,
        %parallel_loop3A_380 = arith.constant 16 : i32
        %parallel_loop3A_381 = arith.muli %parallel_loop3A_371, %parallel_loop3A_380 : i32
        %parallel_loop3A_382 = arith.constant 0 : i32
        %parallel_loop3A_383 = arith.constant 0 : i32
        %parallel_loop3A_384 = arith.index_cast %parallel_loop3A_382 : i32 to index
        %parallel_loop3A_385 = arith.index_cast %parallel_loop3A_383 : i32 to index
        %parallel_loop3A_386 = arith.index_cast %parallel_loop3A_381 : i32 to index
        %parallel_loop3A_387 = tpu.vector_load %arg8[%parallel_loop3A_384, %parallel_loop3A_385, %parallel_loop3A_386] {strides = array<i32>} : memref<4x2x4096xi32, #tpu.memory_space<vmem>>, vector<16xi32>,
        %parallel_loop3A_388 = arith.mulf %parallel_loop3A_379, %broadcast_in_dim3A_162 : vector<16xf32>
        tpu.vector_store_idx %arg9[%parallel_loop3A_387], %parallel_loop3A_388 {add = true} : memref<16384xf32, #tpu.memory_space<vmem>>[vector<16xi32>], vector<16xf32>,
      } {sc.loop_unroll_factor = 16 : i64, sc.parallel_access}
      %mul3A_166 = arith.constant 2 : i32
      %mul3A_167 = arith.muli %add3A_127, %mul3A_166 : i32
      %add3A_168 = arith.constant 1 : i32
      %add3A_169 = arith.addi %mul3A_167, %add3A_168 : i32
      %get3A_170 = arith.index_cast %add3A_169 : i32 to index
      %get3A_171 = tpu.vector_load %arg6[%get3A_170] {strides = array<i32>} : memref<144xf32, #tpu.memory_space<vmem>>, vector<16xf32>,
      %slice3A_172 = vector.extract_strided_slice %get3A_171 {offsets = [0], sizes = [1], strides = [1]} : vector<16xf32> to vector<1xf32>
      %squeeze3A_173 = vector.extract %slice3A_172[0] : f32 from vector<1xf32>
      %broadcast_in_dim3A_174 = vector.broadcast %squeeze3A_173 : f32 to vector<16xf32>
      %parallel_loop3A_175 = arith.constant 0 : i32
      %parallel_loop3A_176 = arith.constant 256 : i32
      %parallel_loop3A_177 = arith.constant 1 : i32
      scf.for %parallel_loop3A_371 = %parallel_loop3A_175 to %parallel_loop3A_176 step %parallel_loop3A_177  : i32 {
        %parallel_loop3A_372 = arith.constant 16 : i32
        %parallel_loop3A_373 = arith.muli %parallel_loop3A_371, %parallel_loop3A_372 : i32
        %parallel_loop3A_374 = arith.constant 0 : i32
        %parallel_loop3A_375 = arith.constant 1 : i32
        %parallel_loop3A_376 = arith.index_cast %parallel_loop3A_374 : i32 to index
        %parallel_loop3A_377 = arith.index_cast %parallel_loop3A_375 : i32 to index
        %parallel_loop3A_378 = arith.index_cast %parallel_loop3A_373 : i32 to index
        %parallel_loop3A_379 = tpu.vector_load %arg7[%parallel_loop3A_376, %parallel_loop3A_377, %parallel_loop3A_378] {strides = array<i32>} : memref<4x2x4096xf32, #tpu.memory_space<vmem>>, vector<16xf32>,
        %parallel_loop3A_380 = arith.constant 16 : i32
        %parallel_loop3A_381 = arith.muli %parallel_loop3A_371, %parallel_loop3A_380 : i32
        %parallel_loop3A_382 = arith.constant 0 : i32
        %parallel_loop3A_383 = arith.constant 1 : i32
        %parallel_loop3A_384 = arith.index_cast %parallel_loop3A_382 : i32 to index
        %parallel_loop3A_385 = arith.index_cast %parallel_loop3A_383 : i32 to index
        %parallel_loop3A_386 = arith.index_cast %parallel_loop3A_381 : i32 to index
        %parallel_loop3A_387 = tpu.vector_load %arg8[%parallel_loop3A_384, %parallel_loop3A_385, %parallel_loop3A_386] {strides = array<i32>} : memref<4x2x4096xi32, #tpu.memory_space<vmem>>, vector<16xi32>,
        %parallel_loop3A_388 = arith.mulf %parallel_loop3A_379, %broadcast_in_dim3A_174 : vector<16xf32>
        tpu.vector_store_idx %arg9[%parallel_loop3A_387], %parallel_loop3A_388 {add = true} : memref<16384xf32, #tpu.memory_space<vmem>>[vector<16xi32>], vector<16xf32>,
      } {sc.loop_unroll_factor = 16 : i64, sc.parallel_access}
      %add3A_178 = arith.constant 4 : i32
      %add3A_179 = arith.addi %add3A_127, %add3A_178 : i32
      %lt3A = arith.constant 64 : i32
      %lt3A_180 = arith.cmpi slt, %add3A_179, %lt3A : i32
      %convert_element_type3A = arith.extui %lt3A_180 : i1 to i32
      %cond3A = arith.constant 0 : i32
      %cond3A_181 = arith.cmpi ne, %convert_element_type3A, %cond3A : i32
      scf.if %cond3A_181 {
        %add3A_371 = arith.constant 4 : i32
        %add3A_372 = arith.addi %add3A_127, %add3A_371 : i32
        %mul3A_373 = arith.constant 2 : i32
        %mul3A_374 = arith.muli %add3A_372, %mul3A_373 : i32
        %add3A_375 = arith.addi %mul3A_2, %mul3A_374 : i32
        %dma_start3A_376 = arith.constant 0 : i32
        %dma_start3A_377 = arith.constant 0 : i32
        %dma_start3A_378 = arith.constant 0 : i32
        %dma_start3A_379 = tpu.memref_slice %arg7[%dma_start3A_376, %dma_start3A_377, %dma_start3A_378] : memref<4x2x4096xf32, #tpu.memory_space<vmem>> -> memref<1x2x4096xf32, #tpu.memory_space<vmem>>
        %dma_start3A_380 = tpu.memref_squeeze %dma_start3A_379 : memref<1x2x4096xf32, #tpu.memory_space<vmem>> -> memref<2x4096xf32, #tpu.memory_space<vmem>>
        %dma_start3A_381 = arith.constant 0 : i32
        %dma_start3A_382 = tpu.memref_slice %arg3[%add3A_375, %dma_start3A_381] : memref<4096x4096xf32, #tpu.memory_space<hbm>> -> memref<2x4096xf32, #tpu.memory_space<hbm>>
        %dma_start3A_383 = arith.constant 0 : i32
        %dma_start3A_384 = arith.constant 0 : i32
        %dma_start3A_385 = tpu.memref_slice %arg7[%dma_start3A_376, %dma_start3A_383, %dma_start3A_384] : memref<4x2x4096xf32, #tpu.memory_space<vmem>> -> memref<1x2x4096xf32, #tpu.memory_space<vmem>>
        %dma_start3A_386 = tpu.memref_squeeze %dma_start3A_385 : memref<1x2x4096xf32, #tpu.memory_space<vmem>> -> memref<2x4096xf32, #tpu.memory_space<vmem>>
        %dma_start3A_387 = arith.constant 0 : i32
        %dma_start3A_388 = tpu.memref_slice %arg3[%add3A_375, %dma_start3A_387] : memref<4096x4096xf32, #tpu.memory_space<hbm>> -> memref<2x4096xf32, #tpu.memory_space<hbm>>
        tpu.enqueue_dma source(%dma_start3A_388 : memref<2x4096xf32, #tpu.memory_space<hbm>>) target(%dma_start3A_386 : memref<2x4096xf32, #tpu.memory_space<vmem>>) target_semaphore(%arg10 : memref<!tpu.dma_semaphore, #tpu.memory_space<semaphore_mem>>)
        %dma_start3A_389 = arith.constant 0 : i32
        %dma_start3A_390 = arith.constant 0 : i32
        %dma_start3A_391 = arith.constant 0 : i32
        %dma_start3A_392 = tpu.memref_slice %arg8[%dma_start3A_389, %dma_start3A_390, %dma_start3A_391] : memref<4x2x4096xi32, #tpu.memory_space<vmem>> -> memref<1x2x4096xi32, #tpu.memory_space<vmem>>
        %dma_start3A_393 = tpu.memref_squeeze %dma_start3A_392 : memref<1x2x4096xi32, #tpu.memory_space<vmem>> -> memref<2x4096xi32, #tpu.memory_space<vmem>>
        %dma_start3A_394 = arith.constant 0 : i32
        %dma_start3A_395 = tpu.memref_slice %arg4[%add3A_375, %dma_start3A_394] : memref<4096x4096xi32, #tpu.memory_space<hbm>> -> memref<2x4096xi32, #tpu.memory_space<hbm>>
        %dma_start3A_396 = arith.constant 0 : i32
        %dma_start3A_397 = arith.constant 0 : i32
        %dma_start3A_398 = tpu.memref_slice %arg8[%dma_start3A_389, %dma_start3A_396, %dma_start3A_397] : memref<4x2x4096xi32, #tpu.memory_space<vmem>> -> memref<1x2x4096xi32, #tpu.memory_space<vmem>>
        %dma_start3A_399 = tpu.memref_squeeze %dma_start3A_398 : memref<1x2x4096xi32, #tpu.memory_space<vmem>> -> memref<2x4096xi32, #tpu.memory_space<vmem>>
        %dma_start3A_400 = arith.constant 0 : i32
        %dma_start3A_401 = tpu.memref_slice %arg4[%add3A_375, %dma_start3A_400] : memref<4096x4096xi32, #tpu.memory_space<hbm>> -> memref<2x4096xi32, #tpu.memory_space<hbm>>
        tpu.enqueue_dma source(%dma_start3A_401 : memref<2x4096xi32, #tpu.memory_space<hbm>>) target(%dma_start3A_399 : memref<2x4096xi32, #tpu.memory_space<vmem>>) target_semaphore(%arg14 : memref<!tpu.dma_semaphore, #tpu.memory_space<semaphore_mem>>)
      } else {
      }
      %add3A_182 = arith.constant 1 : i32
      %add3A_183 = arith.addi %add3A_125, %add3A_182 : i32
      %dma_wait3A_184 = arith.constant 1 : i32
      %dma_wait3A_185 = arith.constant 0 : i32
      %dma_wait3A_186 = arith.constant 0 : i32
      %dma_wait3A_187 = tpu.memref_slice %arg7[%dma_wait3A_184, %dma_wait3A_185, %dma_wait3A_186] : memref<4x2x4096xf32, #tpu.memory_space<vmem>> -> memref<1x2x4096xf32, #tpu.memory_space<vmem>>
      %dma_wait3A_188 = tpu.memref_squeeze %dma_wait3A_187 : memref<1x2x4096xf32, #tpu.memory_space<vmem>> -> memref<2x4096xf32, #tpu.memory_space<vmem>>
      %dma_wait3A_189 = arith.constant 0 : i32
      %dma_wait3A_190 = arith.constant 0 : i32
      %dma_wait3A_191 = tpu.memref_slice %arg3[%dma_wait3A_189, %dma_wait3A_190] : memref<4096x4096xf32, #tpu.memory_space<hbm>> -> memref<2x4096xf32, #tpu.memory_space<hbm>>
      %dma_wait3A_192 = arith.constant 0 : i32
      %dma_wait3A_193 = arith.constant 0 : i32
      %dma_wait3A_194 = tpu.memref_slice %arg7[%dma_wait3A_184, %dma_wait3A_192, %dma_wait3A_193] : memref<4x2x4096xf32, #tpu.memory_space<vmem>> -> memref<1x2x4096xf32, #tpu.memory_space<vmem>>
      %dma_wait3A_195 = tpu.memref_squeeze %dma_wait3A_194 : memref<1x2x4096xf32, #tpu.memory_space<vmem>> -> memref<2x4096xf32, #tpu.memory_space<vmem>>
      %dma_wait3A_196 = arith.constant 0 : i32
      %dma_wait3A_197 = arith.constant 0 : i32
      %dma_wait3A_198 = tpu.memref_slice %arg3[%dma_wait3A_196, %dma_wait3A_197] : memref<4096x4096xf32, #tpu.memory_space<hbm>> -> memref<2x4096xf32, #tpu.memory_space<hbm>>
      tpu.wait_dma2 semaphore(%arg11 : memref<!tpu.dma_semaphore, #tpu.memory_space<semaphore_mem>>) src(%dma_wait3A_198 : memref<2x4096xf32, #tpu.memory_space<hbm>>) dst(%dma_wait3A_195 : memref<2x4096xf32, #tpu.memory_space<vmem>>)
      %dma_wait3A_199 = arith.constant 1 : i32
      %dma_wait3A_200 = arith.constant 0 : i32
      %dma_wait3A_201 = arith.constant 0 : i32
      %dma_wait3A_202 = tpu.memref_slice %arg8[%dma_wait3A_199, %dma_wait3A_200, %dma_wait3A_201] : memref<4x2x4096xi32, #tpu.memory_space<vmem>> -> memref<1x2x4096xi32, #tpu.memory_space<vmem>>
      %dma_wait3A_203 = tpu.memref_squeeze %dma_wait3A_202 : memref<1x2x4096xi32, #tpu.memory_space<vmem>> -> memref<2x4096xi32, #tpu.memory_space<vmem>>
      %dma_wait3A_204 = arith.constant 0 : i32
      %dma_wait3A_205 = arith.constant 0 : i32
      %dma_wait3A_206 = tpu.memref_slice %arg4[%dma_wait3A_204, %dma_wait3A_205] : memref<4096x4096xi32, #tpu.memory_space<hbm>> -> memref<2x4096xi32, #tpu.memory_space<hbm>>
      %dma_wait3A_207 = arith.constant 0 : i32
      %dma_wait3A_208 = arith.constant 0 : i32
      %dma_wait3A_209 = tpu.memref_slice %arg8[%dma_wait3A_199, %dma_wait3A_207, %dma_wait3A_208] : memref<4x2x4096xi32, #tpu.memory_space<vmem>> -> memref<1x2x4096xi32, #tpu.memory_space<vmem>>
      %dma_wait3A_210 = tpu.memref_squeeze %dma_wait3A_209 : memref<1x2x4096xi32, #tpu.memory_space<vmem>> -> memref<2x4096xi32, #tpu.memory_space<vmem>>
      %dma_wait3A_211 = arith.constant 0 : i32
      %dma_wait3A_212 = arith.constant 0 : i32
      %dma_wait3A_213 = tpu.memref_slice %arg4[%dma_wait3A_211, %dma_wait3A_212] : memref<4096x4096xi32, #tpu.memory_space<hbm>> -> memref<2x4096xi32, #tpu.memory_space<hbm>>
      tpu.wait_dma2 semaphore(%arg15 : memref<!tpu.dma_semaphore, #tpu.memory_space<semaphore_mem>>) src(%dma_wait3A_213 : memref<2x4096xi32, #tpu.memory_space<hbm>>) dst(%dma_wait3A_210 : memref<2x4096xi32, #tpu.memory_space<vmem>>)
      %mul3A_214 = arith.constant 2 : i32
      %mul3A_215 = arith.muli %add3A_183, %mul3A_214 : i32
      %add3A_216 = arith.constant 0 : i32
      %add3A_217 = arith.addi %mul3A_215, %add3A_216 : i32
      %get3A_218 = arith.index_cast %add3A_217 : i32 to index
      %get3A_219 = tpu.vector_load %arg6[%get3A_218] {strides = array<i32>} : memref<144xf32, #tpu.memory_space<vmem>>, vector<16xf32>,
      %slice3A_220 = vector.extract_strided_slice %get3A_219 {offsets = [0], sizes = [1], strides = [1]} : vector<16xf32> to vector<1xf32>
      %squeeze3A_221 = vector.extract %slice3A_220[0] : f32 from vector<1xf32>
      %broadcast_in_dim3A_222 = vector.broadcast %squeeze3A_221 : f32 to vector<16xf32>
      %parallel_loop3A_223 = arith.constant 0 : i32
      %parallel_loop3A_224 = arith.constant 256 : i32
      %parallel_loop3A_225 = arith.constant 1 : i32
      scf.for %parallel_loop3A_371 = %parallel_loop3A_223 to %parallel_loop3A_224 step %parallel_loop3A_225  : i32 {
        %parallel_loop3A_372 = arith.constant 16 : i32
        %parallel_loop3A_373 = arith.muli %parallel_loop3A_371, %parallel_loop3A_372 : i32
        %parallel_loop3A_374 = arith.constant 1 : i32
        %parallel_loop3A_375 = arith.constant 0 : i32
        %parallel_loop3A_376 = arith.index_cast %parallel_loop3A_374 : i32 to index
        %parallel_loop3A_377 = arith.index_cast %parallel_loop3A_375 : i32 to index
        %parallel_loop3A_378 = arith.index_cast %parallel_loop3A_373 : i32 to index
        %parallel_loop3A_379 = tpu.vector_load %arg7[%parallel_loop3A_376, %parallel_loop3A_377, %parallel_loop3A_378] {strides = array<i32>} : memref<4x2x4096xf32, #tpu.memory_space<vmem>>, vector<16xf32>,
        %parallel_loop3A_380 = arith.constant 16 : i32
        %parallel_loop3A_381 = arith.muli %parallel_loop3A_371, %parallel_loop3A_380 : i32
        %parallel_loop3A_382 = arith.constant 1 : i32
        %parallel_loop3A_383 = arith.constant 0 : i32
        %parallel_loop3A_384 = arith.index_cast %parallel_loop3A_382 : i32 to index
        %parallel_loop3A_385 = arith.index_cast %parallel_loop3A_383 : i32 to index
        %parallel_loop3A_386 = arith.index_cast %parallel_loop3A_381 : i32 to index
        %parallel_loop3A_387 = tpu.vector_load %arg8[%parallel_loop3A_384, %parallel_loop3A_385, %parallel_loop3A_386] {strides = array<i32>} : memref<4x2x4096xi32, #tpu.memory_space<vmem>>, vector<16xi32>,
        %parallel_loop3A_388 = arith.mulf %parallel_loop3A_379, %broadcast_in_dim3A_222 : vector<16xf32>
        tpu.vector_store_idx %arg9[%parallel_loop3A_387], %parallel_loop3A_388 {add = true} : memref<16384xf32, #tpu.memory_space<vmem>>[vector<16xi32>], vector<16xf32>,
      } {sc.loop_unroll_factor = 16 : i64, sc.parallel_access}
      %mul3A_226 = arith.constant 2 : i32
      %mul3A_227 = arith.muli %add3A_183, %mul3A_226 : i32
      %add3A_228 = arith.constant 1 : i32
      %add3A_229 = arith.addi %mul3A_227, %add3A_228 : i32
      %get3A_230 = arith.index_cast %add3A_229 : i32 to index
      %get3A_231 = tpu.vector_load %arg6[%get3A_230] {strides = array<i32>} : memref<144xf32, #tpu.memory_space<vmem>>, vector<16xf32>,
      %slice3A_232 = vector.extract_strided_slice %get3A_231 {offsets = [0], sizes = [1], strides = [1]} : vector<16xf32> to vector<1xf32>
      %squeeze3A_233 = vector.extract %slice3A_232[0] : f32 from vector<1xf32>
      %broadcast_in_dim3A_234 = vector.broadcast %squeeze3A_233 : f32 to vector<16xf32>
      %parallel_loop3A_235 = arith.constant 0 : i32
      %parallel_loop3A_236 = arith.constant 256 : i32
      %parallel_loop3A_237 = arith.constant 1 : i32
      scf.for %parallel_loop3A_371 = %parallel_loop3A_235 to %parallel_loop3A_236 step %parallel_loop3A_237  : i32 {
        %parallel_loop3A_372 = arith.constant 16 : i32
        %parallel_loop3A_373 = arith.muli %parallel_loop3A_371, %parallel_loop3A_372 : i32
        %parallel_loop3A_374 = arith.constant 1 : i32
        %parallel_loop3A_375 = arith.constant 1 : i32
        %parallel_loop3A_376 = arith.index_cast %parallel_loop3A_374 : i32 to index
        %parallel_loop3A_377 = arith.index_cast %parallel_loop3A_375 : i32 to index
        %parallel_loop3A_378 = arith.index_cast %parallel_loop3A_373 : i32 to index
        %parallel_loop3A_379 = tpu.vector_load %arg7[%parallel_loop3A_376, %parallel_loop3A_377, %parallel_loop3A_378] {strides = array<i32>} : memref<4x2x4096xf32, #tpu.memory_space<vmem>>, vector<16xf32>,
        %parallel_loop3A_380 = arith.constant 16 : i32
        %parallel_loop3A_381 = arith.muli %parallel_loop3A_371, %parallel_loop3A_380 : i32
        %parallel_loop3A_382 = arith.constant 1 : i32
        %parallel_loop3A_383 = arith.constant 1 : i32
        %parallel_loop3A_384 = arith.index_cast %parallel_loop3A_382 : i32 to index
        %parallel_loop3A_385 = arith.index_cast %parallel_loop3A_383 : i32 to index
        %parallel_loop3A_386 = arith.index_cast %parallel_loop3A_381 : i32 to index
        %parallel_loop3A_387 = tpu.vector_load %arg8[%parallel_loop3A_384, %parallel_loop3A_385, %parallel_loop3A_386] {strides = array<i32>} : memref<4x2x4096xi32, #tpu.memory_space<vmem>>, vector<16xi32>,
        %parallel_loop3A_388 = arith.mulf %parallel_loop3A_379, %broadcast_in_dim3A_234 : vector<16xf32>
        tpu.vector_store_idx %arg9[%parallel_loop3A_387], %parallel_loop3A_388 {add = true} : memref<16384xf32, #tpu.memory_space<vmem>>[vector<16xi32>], vector<16xf32>,
      } {sc.loop_unroll_factor = 16 : i64, sc.parallel_access}
      %add3A_238 = arith.constant 4 : i32
      %add3A_239 = arith.addi %add3A_183, %add3A_238 : i32
      %lt3A_240 = arith.constant 64 : i32
      %lt3A_241 = arith.cmpi slt, %add3A_239, %lt3A_240 : i32
      %convert_element_type3A_242 = arith.extui %lt3A_241 : i1 to i32
      %cond3A_243 = arith.constant 0 : i32
      %cond3A_244 = arith.cmpi ne, %convert_element_type3A_242, %cond3A_243 : i32
      scf.if %cond3A_244 {
        %add3A_371 = arith.constant 4 : i32
        %add3A_372 = arith.addi %add3A_183, %add3A_371 : i32
        %mul3A_373 = arith.constant 2 : i32
        %mul3A_374 = arith.muli %add3A_372, %mul3A_373 : i32
        %add3A_375 = arith.addi %mul3A_2, %mul3A_374 : i32
        %dma_start3A_376 = arith.constant 1 : i32
        %dma_start3A_377 = arith.constant 0 : i32
        %dma_start3A_378 = arith.constant 0 : i32
        %dma_start3A_379 = tpu.memref_slice %arg7[%dma_start3A_376, %dma_start3A_377, %dma_start3A_378] : memref<4x2x4096xf32, #tpu.memory_space<vmem>> -> memref<1x2x4096xf32, #tpu.memory_space<vmem>>
        %dma_start3A_380 = tpu.memref_squeeze %dma_start3A_379 : memref<1x2x4096xf32, #tpu.memory_space<vmem>> -> memref<2x4096xf32, #tpu.memory_space<vmem>>
        %dma_start3A_381 = arith.constant 0 : i32
        %dma_start3A_382 = tpu.memref_slice %arg3[%add3A_375, %dma_start3A_381] : memref<4096x4096xf32, #tpu.memory_space<hbm>> -> memref<2x4096xf32, #tpu.memory_space<hbm>>
        %dma_start3A_383 = arith.constant 0 : i32
        %dma_start3A_384 = arith.constant 0 : i32
        %dma_start3A_385 = tpu.memref_slice %arg7[%dma_start3A_376, %dma_start3A_383, %dma_start3A_384] : memref<4x2x4096xf32, #tpu.memory_space<vmem>> -> memref<1x2x4096xf32, #tpu.memory_space<vmem>>
        %dma_start3A_386 = tpu.memref_squeeze %dma_start3A_385 : memref<1x2x4096xf32, #tpu.memory_space<vmem>> -> memref<2x4096xf32, #tpu.memory_space<vmem>>
        %dma_start3A_387 = arith.constant 0 : i32
        %dma_start3A_388 = tpu.memref_slice %arg3[%add3A_375, %dma_start3A_387] : memref<4096x4096xf32, #tpu.memory_space<hbm>> -> memref<2x4096xf32, #tpu.memory_space<hbm>>
        tpu.enqueue_dma source(%dma_start3A_388 : memref<2x4096xf32, #tpu.memory_space<hbm>>) target(%dma_start3A_386 : memref<2x4096xf32, #tpu.memory_space<vmem>>) target_semaphore(%arg11 : memref<!tpu.dma_semaphore, #tpu.memory_space<semaphore_mem>>)
        %dma_start3A_389 = arith.constant 1 : i32
        %dma_start3A_390 = arith.constant 0 : i32
        %dma_start3A_391 = arith.constant 0 : i32
        %dma_start3A_392 = tpu.memref_slice %arg8[%dma_start3A_389, %dma_start3A_390, %dma_start3A_391] : memref<4x2x4096xi32, #tpu.memory_space<vmem>> -> memref<1x2x4096xi32, #tpu.memory_space<vmem>>
        %dma_start3A_393 = tpu.memref_squeeze %dma_start3A_392 : memref<1x2x4096xi32, #tpu.memory_space<vmem>> -> memref<2x4096xi32, #tpu.memory_space<vmem>>
        %dma_start3A_394 = arith.constant 0 : i32
        %dma_start3A_395 = tpu.memref_slice %arg4[%add3A_375, %dma_start3A_394] : memref<4096x4096xi32, #tpu.memory_space<hbm>> -> memref<2x4096xi32, #tpu.memory_space<hbm>>
        %dma_start3A_396 = arith.constant 0 : i32
        %dma_start3A_397 = arith.constant 0 : i32
        %dma_start3A_398 = tpu.memref_slice %arg8[%dma_start3A_389, %dma_start3A_396, %dma_start3A_397] : memref<4x2x4096xi32, #tpu.memory_space<vmem>> -> memref<1x2x4096xi32, #tpu.memory_space<vmem>>
        %dma_start3A_399 = tpu.memref_squeeze %dma_start3A_398 : memref<1x2x4096xi32, #tpu.memory_space<vmem>> -> memref<2x4096xi32, #tpu.memory_space<vmem>>
        %dma_start3A_400 = arith.constant 0 : i32
        %dma_start3A_401 = tpu.memref_slice %arg4[%add3A_375, %dma_start3A_400] : memref<4096x4096xi32, #tpu.memory_space<hbm>> -> memref<2x4096xi32, #tpu.memory_space<hbm>>
        tpu.enqueue_dma source(%dma_start3A_401 : memref<2x4096xi32, #tpu.memory_space<hbm>>) target(%dma_start3A_399 : memref<2x4096xi32, #tpu.memory_space<vmem>>) target_semaphore(%arg15 : memref<!tpu.dma_semaphore, #tpu.memory_space<semaphore_mem>>)
      } else {
      }
      %add3A_245 = arith.constant 2 : i32
      %add3A_246 = arith.addi %add3A_125, %add3A_245 : i32
      %dma_wait3A_247 = arith.constant 2 : i32
      %dma_wait3A_248 = arith.constant 0 : i32
      %dma_wait3A_249 = arith.constant 0 : i32
      %dma_wait3A_250 = tpu.memref_slice %arg7[%dma_wait3A_247, %dma_wait3A_248, %dma_wait3A_249] : memref<4x2x4096xf32, #tpu.memory_space<vmem>> -> memref<1x2x4096xf32, #tpu.memory_space<vmem>>
      %dma_wait3A_251 = tpu.memref_squeeze %dma_wait3A_250 : memref<1x2x4096xf32, #tpu.memory_space<vmem>> -> memref<2x4096xf32, #tpu.memory_space<vmem>>
      %dma_wait3A_252 = arith.constant 0 : i32
      %dma_wait3A_253 = arith.constant 0 : i32
      %dma_wait3A_254 = tpu.memref_slice %arg3[%dma_wait3A_252, %dma_wait3A_253] : memref<4096x4096xf32, #tpu.memory_space<hbm>> -> memref<2x4096xf32, #tpu.memory_space<hbm>>
      %dma_wait3A_255 = arith.constant 0 : i32
      %dma_wait3A_256 = arith.constant 0 : i32
      %dma_wait3A_257 = tpu.memref_slice %arg7[%dma_wait3A_247, %dma_wait3A_255, %dma_wait3A_256] : memref<4x2x4096xf32, #tpu.memory_space<vmem>> -> memref<1x2x4096xf32, #tpu.memory_space<vmem>>
      %dma_wait3A_258 = tpu.memref_squeeze %dma_wait3A_257 : memref<1x2x4096xf32, #tpu.memory_space<vmem>> -> memref<2x4096xf32, #tpu.memory_space<vmem>>
      %dma_wait3A_259 = arith.constant 0 : i32
      %dma_wait3A_260 = arith.constant 0 : i32
      %dma_wait3A_261 = tpu.memref_slice %arg3[%dma_wait3A_259, %dma_wait3A_260] : memref<4096x4096xf32, #tpu.memory_space<hbm>> -> memref<2x4096xf32, #tpu.memory_space<hbm>>
      tpu.wait_dma2 semaphore(%arg12 : memref<!tpu.dma_semaphore, #tpu.memory_space<semaphore_mem>>) src(%dma_wait3A_261 : memref<2x4096xf32, #tpu.memory_space<hbm>>) dst(%dma_wait3A_258 : memref<2x4096xf32, #tpu.memory_space<vmem>>)
      %dma_wait3A_262 = arith.constant 2 : i32
      %dma_wait3A_263 = arith.constant 0 : i32
      %dma_wait3A_264 = arith.constant 0 : i32
      %dma_wait3A_265 = tpu.memref_slice %arg8[%dma_wait3A_262, %dma_wait3A_263, %dma_wait3A_264] : memref<4x2x4096xi32, #tpu.memory_space<vmem>> -> memref<1x2x4096xi32, #tpu.memory_space<vmem>>
      %dma_wait3A_266 = tpu.memref_squeeze %dma_wait3A_265 : memref<1x2x4096xi32, #tpu.memory_space<vmem>> -> memref<2x4096xi32, #tpu.memory_space<vmem>>
      %dma_wait3A_267 = arith.constant 0 : i32
      %dma_wait3A_268 = arith.constant 0 : i32
      %dma_wait3A_269 = tpu.memref_slice %arg4[%dma_wait3A_267, %dma_wait3A_268] : memref<4096x4096xi32, #tpu.memory_space<hbm>> -> memref<2x4096xi32, #tpu.memory_space<hbm>>
      %dma_wait3A_270 = arith.constant 0 : i32
      %dma_wait3A_271 = arith.constant 0 : i32
      %dma_wait3A_272 = tpu.memref_slice %arg8[%dma_wait3A_262, %dma_wait3A_270, %dma_wait3A_271] : memref<4x2x4096xi32, #tpu.memory_space<vmem>> -> memref<1x2x4096xi32, #tpu.memory_space<vmem>>
      %dma_wait3A_273 = tpu.memref_squeeze %dma_wait3A_272 : memref<1x2x4096xi32, #tpu.memory_space<vmem>> -> memref<2x4096xi32, #tpu.memory_space<vmem>>
      %dma_wait3A_274 = arith.constant 0 : i32
      %dma_wait3A_275 = arith.constant 0 : i32
      %dma_wait3A_276 = tpu.memref_slice %arg4[%dma_wait3A_274, %dma_wait3A_275] : memref<4096x4096xi32, #tpu.memory_space<hbm>> -> memref<2x4096xi32, #tpu.memory_space<hbm>>
      tpu.wait_dma2 semaphore(%arg16 : memref<!tpu.dma_semaphore, #tpu.memory_space<semaphore_mem>>) src(%dma_wait3A_276 : memref<2x4096xi32, #tpu.memory_space<hbm>>) dst(%dma_wait3A_273 : memref<2x4096xi32, #tpu.memory_space<vmem>>)
      %mul3A_277 = arith.constant 2 : i32
      %mul3A_278 = arith.muli %add3A_246, %mul3A_277 : i32
      %add3A_279 = arith.constant 0 : i32
      %add3A_280 = arith.addi %mul3A_278, %add3A_279 : i32
      %get3A_281 = arith.index_cast %add3A_280 : i32 to index
      %get3A_282 = tpu.vector_load %arg6[%get3A_281] {strides = array<i32>} : memref<144xf32, #tpu.memory_space<vmem>>, vector<16xf32>,
      %slice3A_283 = vector.extract_strided_slice %get3A_282 {offsets = [0], sizes = [1], strides = [1]} : vector<16xf32> to vector<1xf32>
      %squeeze3A_284 = vector.extract %slice3A_283[0] : f32 from vector<1xf32>
      %broadcast_in_dim3A_285 = vector.broadcast %squeeze3A_284 : f32 to vector<16xf32>
      %parallel_loop3A_286 = arith.constant 0 : i32
      %parallel_loop3A_287 = arith.constant 256 : i32
      %parallel_loop3A_288 = arith.constant 1 : i32
      scf.for %parallel_loop3A_371 = %parallel_loop3A_286 to %parallel_loop3A_287 step %parallel_loop3A_288  : i32 {
        %parallel_loop3A_372 = arith.constant 16 : i32
        %parallel_loop3A_373 = arith.muli %parallel_loop3A_371, %parallel_loop3A_372 : i32
        %parallel_loop3A_374 = arith.constant 2 : i32
        %parallel_loop3A_375 = arith.constant 0 : i32
        %parallel_loop3A_376 = arith.index_cast %parallel_loop3A_374 : i32 to index
        %parallel_loop3A_377 = arith.index_cast %parallel_loop3A_375 : i32 to index
        %parallel_loop3A_378 = arith.index_cast %parallel_loop3A_373 : i32 to index
        %parallel_loop3A_379 = tpu.vector_load %arg7[%parallel_loop3A_376, %parallel_loop3A_377, %parallel_loop3A_378] {strides = array<i32>} : memref<4x2x4096xf32, #tpu.memory_space<vmem>>, vector<16xf32>,
        %parallel_loop3A_380 = arith.constant 16 : i32
        %parallel_loop3A_381 = arith.muli %parallel_loop3A_371, %parallel_loop3A_380 : i32
        %parallel_loop3A_382 = arith.constant 2 : i32
        %parallel_loop3A_383 = arith.constant 0 : i32
        %parallel_loop3A_384 = arith.index_cast %parallel_loop3A_382 : i32 to index
        %parallel_loop3A_385 = arith.index_cast %parallel_loop3A_383 : i32 to index
        %parallel_loop3A_386 = arith.index_cast %parallel_loop3A_381 : i32 to index
        %parallel_loop3A_387 = tpu.vector_load %arg8[%parallel_loop3A_384, %parallel_loop3A_385, %parallel_loop3A_386] {strides = array<i32>} : memref<4x2x4096xi32, #tpu.memory_space<vmem>>, vector<16xi32>,
        %parallel_loop3A_388 = arith.mulf %parallel_loop3A_379, %broadcast_in_dim3A_285 : vector<16xf32>
        tpu.vector_store_idx %arg9[%parallel_loop3A_387], %parallel_loop3A_388 {add = true} : memref<16384xf32, #tpu.memory_space<vmem>>[vector<16xi32>], vector<16xf32>,
      } {sc.loop_unroll_factor = 16 : i64, sc.parallel_access}
      %mul3A_289 = arith.constant 2 : i32
      %mul3A_290 = arith.muli %add3A_246, %mul3A_289 : i32
      %add3A_291 = arith.constant 1 : i32
      %add3A_292 = arith.addi %mul3A_290, %add3A_291 : i32
      %get3A_293 = arith.index_cast %add3A_292 : i32 to index
      %get3A_294 = tpu.vector_load %arg6[%get3A_293] {strides = array<i32>} : memref<144xf32, #tpu.memory_space<vmem>>, vector<16xf32>,
      %slice3A_295 = vector.extract_strided_slice %get3A_294 {offsets = [0], sizes = [1], strides = [1]} : vector<16xf32> to vector<1xf32>
      %squeeze3A_296 = vector.extract %slice3A_295[0] : f32 from vector<1xf32>
      %broadcast_in_dim3A_297 = vector.broadcast %squeeze3A_296 : f32 to vector<16xf32>
      %parallel_loop3A_298 = arith.constant 0 : i32
      %parallel_loop3A_299 = arith.constant 256 : i32
      %parallel_loop3A_300 = arith.constant 1 : i32
      scf.for %parallel_loop3A_371 = %parallel_loop3A_298 to %parallel_loop3A_299 step %parallel_loop3A_300  : i32 {
        %parallel_loop3A_372 = arith.constant 16 : i32
        %parallel_loop3A_373 = arith.muli %parallel_loop3A_371, %parallel_loop3A_372 : i32
        %parallel_loop3A_374 = arith.constant 2 : i32
        %parallel_loop3A_375 = arith.constant 1 : i32
        %parallel_loop3A_376 = arith.index_cast %parallel_loop3A_374 : i32 to index
        %parallel_loop3A_377 = arith.index_cast %parallel_loop3A_375 : i32 to index
        %parallel_loop3A_378 = arith.index_cast %parallel_loop3A_373 : i32 to index
        %parallel_loop3A_379 = tpu.vector_load %arg7[%parallel_loop3A_376, %parallel_loop3A_377, %parallel_loop3A_378] {strides = array<i32>} : memref<4x2x4096xf32, #tpu.memory_space<vmem>>, vector<16xf32>,
        %parallel_loop3A_380 = arith.constant 16 : i32
        %parallel_loop3A_381 = arith.muli %parallel_loop3A_371, %parallel_loop3A_380 : i32
        %parallel_loop3A_382 = arith.constant 2 : i32
        %parallel_loop3A_383 = arith.constant 1 : i32
        %parallel_loop3A_384 = arith.index_cast %parallel_loop3A_382 : i32 to index
        %parallel_loop3A_385 = arith.index_cast %parallel_loop3A_383 : i32 to index
        %parallel_loop3A_386 = arith.index_cast %parallel_loop3A_381 : i32 to index
        %parallel_loop3A_387 = tpu.vector_load %arg8[%parallel_loop3A_384, %parallel_loop3A_385, %parallel_loop3A_386] {strides = array<i32>} : memref<4x2x4096xi32, #tpu.memory_space<vmem>>, vector<16xi32>,
        %parallel_loop3A_388 = arith.mulf %parallel_loop3A_379, %broadcast_in_dim3A_297 : vector<16xf32>
        tpu.vector_store_idx %arg9[%parallel_loop3A_387], %parallel_loop3A_388 {add = true} : memref<16384xf32, #tpu.memory_space<vmem>>[vector<16xi32>], vector<16xf32>,
      } {sc.loop_unroll_factor = 16 : i64, sc.parallel_access}
      %add3A_301 = arith.constant 4 : i32
      %add3A_302 = arith.addi %add3A_246, %add3A_301 : i32
      %lt3A_303 = arith.constant 64 : i32
      %lt3A_304 = arith.cmpi slt, %add3A_302, %lt3A_303 : i32
      %convert_element_type3A_305 = arith.extui %lt3A_304 : i1 to i32
      %cond3A_306 = arith.constant 0 : i32
      %cond3A_307 = arith.cmpi ne, %convert_element_type3A_305, %cond3A_306 : i32
      scf.if %cond3A_307 {
        %add3A_371 = arith.constant 4 : i32
        %add3A_372 = arith.addi %add3A_246, %add3A_371 : i32
        %mul3A_373 = arith.constant 2 : i32
        %mul3A_374 = arith.muli %add3A_372, %mul3A_373 : i32
        %add3A_375 = arith.addi %mul3A_2, %mul3A_374 : i32
        %dma_start3A_376 = arith.constant 2 : i32
        %dma_start3A_377 = arith.constant 0 : i32
        %dma_start3A_378 = arith.constant 0 : i32
        %dma_start3A_379 = tpu.memref_slice %arg7[%dma_start3A_376, %dma_start3A_377, %dma_start3A_378] : memref<4x2x4096xf32, #tpu.memory_space<vmem>> -> memref<1x2x4096xf32, #tpu.memory_space<vmem>>
        %dma_start3A_380 = tpu.memref_squeeze %dma_start3A_379 : memref<1x2x4096xf32, #tpu.memory_space<vmem>> -> memref<2x4096xf32, #tpu.memory_space<vmem>>
        %dma_start3A_381 = arith.constant 0 : i32
        %dma_start3A_382 = tpu.memref_slice %arg3[%add3A_375, %dma_start3A_381] : memref<4096x4096xf32, #tpu.memory_space<hbm>> -> memref<2x4096xf32, #tpu.memory_space<hbm>>
        %dma_start3A_383 = arith.constant 0 : i32
        %dma_start3A_384 = arith.constant 0 : i32
        %dma_start3A_385 = tpu.memref_slice %arg7[%dma_start3A_376, %dma_start3A_383, %dma_start3A_384] : memref<4x2x4096xf32, #tpu.memory_space<vmem>> -> memref<1x2x4096xf32, #tpu.memory_space<vmem>>
        %dma_start3A_386 = tpu.memref_squeeze %dma_start3A_385 : memref<1x2x4096xf32, #tpu.memory_space<vmem>> -> memref<2x4096xf32, #tpu.memory_space<vmem>>
        %dma_start3A_387 = arith.constant 0 : i32
        %dma_start3A_388 = tpu.memref_slice %arg3[%add3A_375, %dma_start3A_387] : memref<4096x4096xf32, #tpu.memory_space<hbm>> -> memref<2x4096xf32, #tpu.memory_space<hbm>>
        tpu.enqueue_dma source(%dma_start3A_388 : memref<2x4096xf32, #tpu.memory_space<hbm>>) target(%dma_start3A_386 : memref<2x4096xf32, #tpu.memory_space<vmem>>) target_semaphore(%arg12 : memref<!tpu.dma_semaphore, #tpu.memory_space<semaphore_mem>>)
        %dma_start3A_389 = arith.constant 2 : i32
        %dma_start3A_390 = arith.constant 0 : i32
        %dma_start3A_391 = arith.constant 0 : i32
        %dma_start3A_392 = tpu.memref_slice %arg8[%dma_start3A_389, %dma_start3A_390, %dma_start3A_391] : memref<4x2x4096xi32, #tpu.memory_space<vmem>> -> memref<1x2x4096xi32, #tpu.memory_space<vmem>>
        %dma_start3A_393 = tpu.memref_squeeze %dma_start3A_392 : memref<1x2x4096xi32, #tpu.memory_space<vmem>> -> memref<2x4096xi32, #tpu.memory_space<vmem>>
        %dma_start3A_394 = arith.constant 0 : i32
        %dma_start3A_395 = tpu.memref_slice %arg4[%add3A_375, %dma_start3A_394] : memref<4096x4096xi32, #tpu.memory_space<hbm>> -> memref<2x4096xi32, #tpu.memory_space<hbm>>
        %dma_start3A_396 = arith.constant 0 : i32
        %dma_start3A_397 = arith.constant 0 : i32
        %dma_start3A_398 = tpu.memref_slice %arg8[%dma_start3A_389, %dma_start3A_396, %dma_start3A_397] : memref<4x2x4096xi32, #tpu.memory_space<vmem>> -> memref<1x2x4096xi32, #tpu.memory_space<vmem>>
        %dma_start3A_399 = tpu.memref_squeeze %dma_start3A_398 : memref<1x2x4096xi32, #tpu.memory_space<vmem>> -> memref<2x4096xi32, #tpu.memory_space<vmem>>
        %dma_start3A_400 = arith.constant 0 : i32
        %dma_start3A_401 = tpu.memref_slice %arg4[%add3A_375, %dma_start3A_400] : memref<4096x4096xi32, #tpu.memory_space<hbm>> -> memref<2x4096xi32, #tpu.memory_space<hbm>>
        tpu.enqueue_dma source(%dma_start3A_401 : memref<2x4096xi32, #tpu.memory_space<hbm>>) target(%dma_start3A_399 : memref<2x4096xi32, #tpu.memory_space<vmem>>) target_semaphore(%arg16 : memref<!tpu.dma_semaphore, #tpu.memory_space<semaphore_mem>>)
      } else {
      }
      %add3A_308 = arith.constant 3 : i32
      %add3A_309 = arith.addi %add3A_125, %add3A_308 : i32
      %dma_wait3A_310 = arith.constant 3 : i32
      %dma_wait3A_311 = arith.constant 0 : i32
      %dma_wait3A_312 = arith.constant 0 : i32
      %dma_wait3A_313 = tpu.memref_slice %arg7[%dma_wait3A_310, %dma_wait3A_311, %dma_wait3A_312] : memref<4x2x4096xf32, #tpu.memory_space<vmem>> -> memref<1x2x4096xf32, #tpu.memory_space<vmem>>
      %dma_wait3A_314 = tpu.memref_squeeze %dma_wait3A_313 : memref<1x2x4096xf32, #tpu.memory_space<vmem>> -> memref<2x4096xf32, #tpu.memory_space<vmem>>
      %dma_wait3A_315 = arith.constant 0 : i32
      %dma_wait3A_316 = arith.constant 0 : i32
      %dma_wait3A_317 = tpu.memref_slice %arg3[%dma_wait3A_315, %dma_wait3A_316] : memref<4096x4096xf32, #tpu.memory_space<hbm>> -> memref<2x4096xf32, #tpu.memory_space<hbm>>
      %dma_wait3A_318 = arith.constant 0 : i32
      %dma_wait3A_319 = arith.constant 0 : i32
      %dma_wait3A_320 = tpu.memref_slice %arg7[%dma_wait3A_310, %dma_wait3A_318, %dma_wait3A_319] : memref<4x2x4096xf32, #tpu.memory_space<vmem>> -> memref<1x2x4096xf32, #tpu.memory_space<vmem>>
      %dma_wait3A_321 = tpu.memref_squeeze %dma_wait3A_320 : memref<1x2x4096xf32, #tpu.memory_space<vmem>> -> memref<2x4096xf32, #tpu.memory_space<vmem>>
      %dma_wait3A_322 = arith.constant 0 : i32
      %dma_wait3A_323 = arith.constant 0 : i32
      %dma_wait3A_324 = tpu.memref_slice %arg3[%dma_wait3A_322, %dma_wait3A_323] : memref<4096x4096xf32, #tpu.memory_space<hbm>> -> memref<2x4096xf32, #tpu.memory_space<hbm>>
      tpu.wait_dma2 semaphore(%arg13 : memref<!tpu.dma_semaphore, #tpu.memory_space<semaphore_mem>>) src(%dma_wait3A_324 : memref<2x4096xf32, #tpu.memory_space<hbm>>) dst(%dma_wait3A_321 : memref<2x4096xf32, #tpu.memory_space<vmem>>)
      %dma_wait3A_325 = arith.constant 3 : i32
      %dma_wait3A_326 = arith.constant 0 : i32
      %dma_wait3A_327 = arith.constant 0 : i32
      %dma_wait3A_328 = tpu.memref_slice %arg8[%dma_wait3A_325, %dma_wait3A_326, %dma_wait3A_327] : memref<4x2x4096xi32, #tpu.memory_space<vmem>> -> memref<1x2x4096xi32, #tpu.memory_space<vmem>>
      %dma_wait3A_329 = tpu.memref_squeeze %dma_wait3A_328 : memref<1x2x4096xi32, #tpu.memory_space<vmem>> -> memref<2x4096xi32, #tpu.memory_space<vmem>>
      %dma_wait3A_330 = arith.constant 0 : i32
      %dma_wait3A_331 = arith.constant 0 : i32
      %dma_wait3A_332 = tpu.memref_slice %arg4[%dma_wait3A_330, %dma_wait3A_331] : memref<4096x4096xi32, #tpu.memory_space<hbm>> -> memref<2x4096xi32, #tpu.memory_space<hbm>>
      %dma_wait3A_333 = arith.constant 0 : i32
      %dma_wait3A_334 = arith.constant 0 : i32
      %dma_wait3A_335 = tpu.memref_slice %arg8[%dma_wait3A_325, %dma_wait3A_333, %dma_wait3A_334] : memref<4x2x4096xi32, #tpu.memory_space<vmem>> -> memref<1x2x4096xi32, #tpu.memory_space<vmem>>
      %dma_wait3A_336 = tpu.memref_squeeze %dma_wait3A_335 : memref<1x2x4096xi32, #tpu.memory_space<vmem>> -> memref<2x4096xi32, #tpu.memory_space<vmem>>
      %dma_wait3A_337 = arith.constant 0 : i32
      %dma_wait3A_338 = arith.constant 0 : i32
      %dma_wait3A_339 = tpu.memref_slice %arg4[%dma_wait3A_337, %dma_wait3A_338] : memref<4096x4096xi32, #tpu.memory_space<hbm>> -> memref<2x4096xi32, #tpu.memory_space<hbm>>
      tpu.wait_dma2 semaphore(%arg17 : memref<!tpu.dma_semaphore, #tpu.memory_space<semaphore_mem>>) src(%dma_wait3A_339 : memref<2x4096xi32, #tpu.memory_space<hbm>>) dst(%dma_wait3A_336 : memref<2x4096xi32, #tpu.memory_space<vmem>>)
      %mul3A_340 = arith.constant 2 : i32
      %mul3A_341 = arith.muli %add3A_309, %mul3A_340 : i32
      %add3A_342 = arith.constant 0 : i32
      %add3A_343 = arith.addi %mul3A_341, %add3A_342 : i32
      %get3A_344 = arith.index_cast %add3A_343 : i32 to index
      %get3A_345 = tpu.vector_load %arg6[%get3A_344] {strides = array<i32>} : memref<144xf32, #tpu.memory_space<vmem>>, vector<16xf32>,
      %slice3A_346 = vector.extract_strided_slice %get3A_345 {offsets = [0], sizes = [1], strides = [1]} : vector<16xf32> to vector<1xf32>
      %squeeze3A_347 = vector.extract %slice3A_346[0] : f32 from vector<1xf32>
      %broadcast_in_dim3A_348 = vector.broadcast %squeeze3A_347 : f32 to vector<16xf32>
      %parallel_loop3A_349 = arith.constant 0 : i32
      %parallel_loop3A_350 = arith.constant 256 : i32
      %parallel_loop3A_351 = arith.constant 1 : i32
      scf.for %parallel_loop3A_371 = %parallel_loop3A_349 to %parallel_loop3A_350 step %parallel_loop3A_351  : i32 {
        %parallel_loop3A_372 = arith.constant 16 : i32
        %parallel_loop3A_373 = arith.muli %parallel_loop3A_371, %parallel_loop3A_372 : i32
        %parallel_loop3A_374 = arith.constant 3 : i32
        %parallel_loop3A_375 = arith.constant 0 : i32
        %parallel_loop3A_376 = arith.index_cast %parallel_loop3A_374 : i32 to index
        %parallel_loop3A_377 = arith.index_cast %parallel_loop3A_375 : i32 to index
        %parallel_loop3A_378 = arith.index_cast %parallel_loop3A_373 : i32 to index
        %parallel_loop3A_379 = tpu.vector_load %arg7[%parallel_loop3A_376, %parallel_loop3A_377, %parallel_loop3A_378] {strides = array<i32>} : memref<4x2x4096xf32, #tpu.memory_space<vmem>>, vector<16xf32>,
        %parallel_loop3A_380 = arith.constant 16 : i32
        %parallel_loop3A_381 = arith.muli %parallel_loop3A_371, %parallel_loop3A_380 : i32
        %parallel_loop3A_382 = arith.constant 3 : i32
        %parallel_loop3A_383 = arith.constant 0 : i32
        %parallel_loop3A_384 = arith.index_cast %parallel_loop3A_382 : i32 to index
        %parallel_loop3A_385 = arith.index_cast %parallel_loop3A_383 : i32 to index
        %parallel_loop3A_386 = arith.index_cast %parallel_loop3A_381 : i32 to index
        %parallel_loop3A_387 = tpu.vector_load %arg8[%parallel_loop3A_384, %parallel_loop3A_385, %parallel_loop3A_386] {strides = array<i32>} : memref<4x2x4096xi32, #tpu.memory_space<vmem>>, vector<16xi32>,
        %parallel_loop3A_388 = arith.mulf %parallel_loop3A_379, %broadcast_in_dim3A_348 : vector<16xf32>
        tpu.vector_store_idx %arg9[%parallel_loop3A_387], %parallel_loop3A_388 {add = true} : memref<16384xf32, #tpu.memory_space<vmem>>[vector<16xi32>], vector<16xf32>,
      } {sc.loop_unroll_factor = 16 : i64, sc.parallel_access}
      %mul3A_352 = arith.constant 2 : i32
      %mul3A_353 = arith.muli %add3A_309, %mul3A_352 : i32
      %add3A_354 = arith.constant 1 : i32
      %add3A_355 = arith.addi %mul3A_353, %add3A_354 : i32
      %get3A_356 = arith.index_cast %add3A_355 : i32 to index
      %get3A_357 = tpu.vector_load %arg6[%get3A_356] {strides = array<i32>} : memref<144xf32, #tpu.memory_space<vmem>>, vector<16xf32>,
      %slice3A_358 = vector.extract_strided_slice %get3A_357 {offsets = [0], sizes = [1], strides = [1]} : vector<16xf32> to vector<1xf32>
      %squeeze3A_359 = vector.extract %slice3A_358[0] : f32 from vector<1xf32>
      %broadcast_in_dim3A_360 = vector.broadcast %squeeze3A_359 : f32 to vector<16xf32>
      %parallel_loop3A_361 = arith.constant 0 : i32
      %parallel_loop3A_362 = arith.constant 256 : i32
      %parallel_loop3A_363 = arith.constant 1 : i32
      scf.for %parallel_loop3A_371 = %parallel_loop3A_361 to %parallel_loop3A_362 step %parallel_loop3A_363  : i32 {
        %parallel_loop3A_372 = arith.constant 16 : i32
        %parallel_loop3A_373 = arith.muli %parallel_loop3A_371, %parallel_loop3A_372 : i32
        %parallel_loop3A_374 = arith.constant 3 : i32
        %parallel_loop3A_375 = arith.constant 1 : i32
        %parallel_loop3A_376 = arith.index_cast %parallel_loop3A_374 : i32 to index
        %parallel_loop3A_377 = arith.index_cast %parallel_loop3A_375 : i32 to index
        %parallel_loop3A_378 = arith.index_cast %parallel_loop3A_373 : i32 to index
        %parallel_loop3A_379 = tpu.vector_load %arg7[%parallel_loop3A_376, %parallel_loop3A_377, %parallel_loop3A_378] {strides = array<i32>} : memref<4x2x4096xf32, #tpu.memory_space<vmem>>, vector<16xf32>,
        %parallel_loop3A_380 = arith.constant 16 : i32
        %parallel_loop3A_381 = arith.muli %parallel_loop3A_371, %parallel_loop3A_380 : i32
        %parallel_loop3A_382 = arith.constant 3 : i32
        %parallel_loop3A_383 = arith.constant 1 : i32
        %parallel_loop3A_384 = arith.index_cast %parallel_loop3A_382 : i32 to index
        %parallel_loop3A_385 = arith.index_cast %parallel_loop3A_383 : i32 to index
        %parallel_loop3A_386 = arith.index_cast %parallel_loop3A_381 : i32 to index
        %parallel_loop3A_387 = tpu.vector_load %arg8[%parallel_loop3A_384, %parallel_loop3A_385, %parallel_loop3A_386] {strides = array<i32>} : memref<4x2x4096xi32, #tpu.memory_space<vmem>>, vector<16xi32>,
        %parallel_loop3A_388 = arith.mulf %parallel_loop3A_379, %broadcast_in_dim3A_360 : vector<16xf32>
        tpu.vector_store_idx %arg9[%parallel_loop3A_387], %parallel_loop3A_388 {add = true} : memref<16384xf32, #tpu.memory_space<vmem>>[vector<16xi32>], vector<16xf32>,
      } {sc.loop_unroll_factor = 16 : i64, sc.parallel_access}
      %add3A_364 = arith.constant 4 : i32
      %add3A_365 = arith.addi %add3A_309, %add3A_364 : i32
      %lt3A_366 = arith.constant 64 : i32
      %lt3A_367 = arith.cmpi slt, %add3A_365, %lt3A_366 : i32
      %convert_element_type3A_368 = arith.extui %lt3A_367 : i1 to i32
      %cond3A_369 = arith.constant 0 : i32
      %cond3A_370 = arith.cmpi ne, %convert_element_type3A_368, %cond3A_369 : i32
      scf.if %cond3A_370 {
        %add3A_371 = arith.constant 4 : i32
        %add3A_372 = arith.addi %add3A_309, %add3A_371 : i32
        %mul3A_373 = arith.constant 2 : i32
        %mul3A_374 = arith.muli %add3A_372, %mul3A_373 : i32
        %add3A_375 = arith.addi %mul3A_2, %mul3A_374 : i32
        %dma_start3A_376 = arith.constant 3 : i32
        %dma_start3A_377 = arith.constant 0 : i32
        %dma_start3A_378 = arith.constant 0 : i32
        %dma_start3A_379 = tpu.memref_slice %arg7[%dma_start3A_376, %dma_start3A_377, %dma_start3A_378] : memref<4x2x4096xf32, #tpu.memory_space<vmem>> -> memref<1x2x4096xf32, #tpu.memory_space<vmem>>
        %dma_start3A_380 = tpu.memref_squeeze %dma_start3A_379 : memref<1x2x4096xf32, #tpu.memory_space<vmem>> -> memref<2x4096xf32, #tpu.memory_space<vmem>>
        %dma_start3A_381 = arith.constant 0 : i32
        %dma_start3A_382 = tpu.memref_slice %arg3[%add3A_375, %dma_start3A_381] : memref<4096x4096xf32, #tpu.memory_space<hbm>> -> memref<2x4096xf32, #tpu.memory_space<hbm>>
        %dma_start3A_383 = arith.constant 0 : i32
        %dma_start3A_384 = arith.constant 0 : i32
        %dma_start3A_385 = tpu.memref_slice %arg7[%dma_start3A_376, %dma_start3A_383, %dma_start3A_384] : memref<4x2x4096xf32, #tpu.memory_space<vmem>> -> memref<1x2x4096xf32, #tpu.memory_space<vmem>>
        %dma_start3A_386 = tpu.memref_squeeze %dma_start3A_385 : memref<1x2x4096xf32, #tpu.memory_space<vmem>> -> memref<2x4096xf32, #tpu.memory_space<vmem>>
        %dma_start3A_387 = arith.constant 0 : i32
        %dma_start3A_388 = tpu.memref_slice %arg3[%add3A_375, %dma_start3A_387] : memref<4096x4096xf32, #tpu.memory_space<hbm>> -> memref<2x4096xf32, #tpu.memory_space<hbm>>
        tpu.enqueue_dma source(%dma_start3A_388 : memref<2x4096xf32, #tpu.memory_space<hbm>>) target(%dma_start3A_386 : memref<2x4096xf32, #tpu.memory_space<vmem>>) target_semaphore(%arg13 : memref<!tpu.dma_semaphore, #tpu.memory_space<semaphore_mem>>)
        %dma_start3A_389 = arith.constant 3 : i32
        %dma_start3A_390 = arith.constant 0 : i32
        %dma_start3A_391 = arith.constant 0 : i32
        %dma_start3A_392 = tpu.memref_slice %arg8[%dma_start3A_389, %dma_start3A_390, %dma_start3A_391] : memref<4x2x4096xi32, #tpu.memory_space<vmem>> -> memref<1x2x4096xi32, #tpu.memory_space<vmem>>
        %dma_start3A_393 = tpu.memref_squeeze %dma_start3A_392 : memref<1x2x4096xi32, #tpu.memory_space<vmem>> -> memref<2x4096xi32, #tpu.memory_space<vmem>>
        %dma_start3A_394 = arith.constant 0 : i32
        %dma_start3A_395 = tpu.memref_slice %arg4[%add3A_375, %dma_start3A_394] : memref<4096x4096xi32, #tpu.memory_space<hbm>> -> memref<2x4096xi32, #tpu.memory_space<hbm>>
        %dma_start3A_396 = arith.constant 0 : i32
        %dma_start3A_397 = arith.constant 0 : i32
        %dma_start3A_398 = tpu.memref_slice %arg8[%dma_start3A_389, %dma_start3A_396, %dma_start3A_397] : memref<4x2x4096xi32, #tpu.memory_space<vmem>> -> memref<1x2x4096xi32, #tpu.memory_space<vmem>>
        %dma_start3A_399 = tpu.memref_squeeze %dma_start3A_398 : memref<1x2x4096xi32, #tpu.memory_space<vmem>> -> memref<2x4096xi32, #tpu.memory_space<vmem>>
        %dma_start3A_400 = arith.constant 0 : i32
        %dma_start3A_401 = tpu.memref_slice %arg4[%add3A_375, %dma_start3A_400] : memref<4096x4096xi32, #tpu.memory_space<hbm>> -> memref<2x4096xi32, #tpu.memory_space<hbm>>
        tpu.enqueue_dma source(%dma_start3A_401 : memref<2x4096xi32, #tpu.memory_space<hbm>>) target(%dma_start3A_399 : memref<2x4096xi32, #tpu.memory_space<vmem>>) target_semaphore(%arg17 : memref<!tpu.dma_semaphore, #tpu.memory_space<semaphore_mem>>)
      } else {
      }
    }
    %scan3A_120 = arith.constant 16 : i32
    "tpu.region"() ({
      %run_scoped3A = tpu.sem_alloc : memref<!tpu.dma_semaphore, #tpu.memory_space<semaphore_mem>>
      %dma_start3A_121 = arith.constant 0 : i32
      %dma_start3A_122 = tpu.memref_slice %arg5[%add3A, %dma_start3A_121] : memref<32x16384xf32, #tpu.memory_space<hbm>> -> memref<1x16384xf32, #tpu.memory_space<hbm>>
      %dma_start3A_123 = tpu.memref_squeeze %dma_start3A_122 : memref<1x16384xf32, #tpu.memory_space<hbm>> -> memref<16384xf32, #tpu.memory_space<hbm>>
      %dma_start3A_124 = arith.constant 0 : i32
      %dma_start3A_125 = tpu.memref_slice %arg5[%add3A, %dma_start3A_124] : memref<32x16384xf32, #tpu.memory_space<hbm>> -> memref<1x16384xf32, #tpu.memory_space<hbm>>
      %dma_start3A_126 = tpu.memref_squeeze %dma_start3A_125 : memref<1x16384xf32, #tpu.memory_space<hbm>> -> memref<16384xf32, #tpu.memory_space<hbm>>
      tpu.enqueue_dma source(%arg9 : memref<16384xf32, #tpu.memory_space<vmem>>) target(%dma_start3A_126 : memref<16384xf32, #tpu.memory_space<hbm>>) target_semaphore(%run_scoped3A : memref<!tpu.dma_semaphore, #tpu.memory_space<semaphore_mem>>)
      %dma_wait3A = arith.constant 0 : i32
      %dma_wait3A_127 = tpu.memref_slice %arg5[%add3A, %dma_wait3A] : memref<32x16384xf32, #tpu.memory_space<hbm>> -> memref<1x16384xf32, #tpu.memory_space<hbm>>
      %dma_wait3A_128 = tpu.memref_squeeze %dma_wait3A_127 : memref<1x16384xf32, #tpu.memory_space<hbm>> -> memref<16384xf32, #tpu.memory_space<hbm>>
      %dma_wait3A_129 = arith.constant 0 : i32
      %dma_wait3A_130 = tpu.memref_slice %arg5[%add3A, %dma_wait3A_129] : memref<32x16384xf32, #tpu.memory_space<hbm>> -> memref<1x16384xf32, #tpu.memory_space<hbm>>
      %dma_wait3A_131 = tpu.memref_squeeze %dma_wait3A_130 : memref<1x16384xf32, #tpu.memory_space<hbm>> -> memref<16384xf32, #tpu.memory_space<hbm>>
      tpu.wait_dma2 semaphore(%run_scoped3A : memref<!tpu.dma_semaphore, #tpu.memory_space<semaphore_mem>>) src(%arg9 : memref<16384xf32, #tpu.memory_space<vmem>>) dst(%dma_wait3A_131 : memref<16384xf32, #tpu.memory_space<hbm>>)
      tpu.yield
    }) : () -> ()
    return
  }
}

</mosaic_0001>

<sc_bundles>
// kernel: _sc_scatter.3.cloned.1.call-start
scs
__scs_entry_jumppad:
0x0: {  	(pc) =	sbr.rel $0x88, $3  }
0x1: {  	(tag) =	ssettag $0x0;
	lr =	simm.s32 $0x1  }
0x2: {  	[smem:$0x3F9E] =	sst lr;
	_ =	strace $0xD0000000  }
0x3: {  	_ = 	snop  }
0x4: {  	_ = 	snop  }
0x5: {  	_ = 	snop  }
0x6: {  	_ = 	snop  }
0x7: {  	_ = 	snop  }
__scs_overlays_trampoline_lowered:
0x8: {  	[smem:$0x3FAD] =	sst s0  }
0x9: {  	[smem:$0x3FAE] =	sst s1  }
0xa: {  	[smem:$0x3FAF] =	sst s2  }
0xb: {  	[smem:$0x3FB0] =	sst s3  }
0xc: {  	[smem:$0x3FB1] =	sst s4  }
0xd: {  	[smem:$0x3FB2] =	sst s5  }
0xe: {  	[smem:$0x3FB3] =	sst s6  }
0xf: {  	[smem:$0x3FB4] =	sst s7  }
0x10: {  	[smem:$0x3FB5] =	sst s8  }
0x11: {  	[smem:$0x3FB6] =	sst s9;
	s0 =	simm.s32 @!p0 $0x0  }
0x12: {  	s1 =	sld [smem:$0x3F9C];
	s0 =	simm.s32 @p0 $0x1  }
0x13: {  	[smem:$0x3FB7] =	sst s0;
	s0 =	simm.s32 @!p1 $0x0  }
0x14: {  	s2 =	sld [smem:$0x3F9B];
	s0 =	simm.s32 @p1 $0x1  }
0x15: {  	[smem:$0x3FB8] =	sst s0;
	s0 =	simm.s32 @!p2 $0x0  }
0x16: {  	s3 =	sld [smem:$0x3FDB];
	s0 =	simm.s32 @p2 $0x1  }
0x17: {  	s4 =	simm.s32 $0x1BF5;
	[smem:$0x3FBA] =	sst s0  }
0x18: {  	s0 =	sld [smem:$0x3F9D];
	_ =	swait.ge [sflag:s4], $0x0  }
0x19: {  	s7 =	sld [smem:$0x3F9E]  }
0x1a: {  	s8 =	sadd.s32 $0xFFFFE003, lr  }
0x1b: {  	s9 =	sadd.s32 $0xFFFFFEF7, lr;
	s5 =	simm.s32 $0xFFFFFFFF;
	p2 =	slt.u32 s8, $0xFFFFF086  }
0x1c: {  	p1 =	slt.u32 s9, $0xF7A;
	s5 =	simm.s32 @!p2 $0x0  }
0x1d: {  	s5 =	simm.s32 @p1 $0x1;
	p0 =	seq.s32 s7, s2  }
0x1e: {  	s7 =	smul.u32 @!p0 $0xF7A, s2;
	p2 =	seq.s32 @!p0 s5, $0x0  }
0x1f: {  	s9 =	smul.u32 $0xF7A, s1;
	s8 =	simm.s32 @!p0 $0x1BF5;
	p2 =	por !p2, p0  }
0x20: {  	[sflag:s8] =	ssyncset.s32 @!p0 $0xFFFFF086;
	s6 =	sadd.s32 @!p0 s3, s7;
	s7 =	simm.s32 @!p0 $0x108  }
0x21: {  	s3 =	sadd.s32 s3, s9;
	s6 =	sadd.s32 @!p0 $0x88, s6;
	s7 =	simm.s32 @p2 $0x1082  }
0x22: {  	[simem:s7], [sflag:s8] =	dma.local @!p0 [hbm:s6], $0xF7A  }
0x23: {  	s9 =	sor.u32 $0xD0000000, s2;
	s6 =	simm.s32 $0x108;
	_ =	swait.ge @!p0 [sflag:s8], $0x0  }
0x24: {  	s3 =	sadd.s32 $0x88, s3;
	s6 =	simm.s32 @!p1 $0x1082;
	[sflag:s4] =	ssyncset.s32 $0xFFFFF086  }
0x25: {  	[simem:s6], [sflag:s4] =	dma.local [hbm:s3], $0xF7A  }
0x26: {  	[smem:$0x3F9E] =	sst s1;
	(tag) =	ssettag s2;
	_ =	strace s9  }
0x27: {  	s1 =	sld [smem:$0x3FAE]  }
0x28: {  	s2 =	sld [smem:$0x3FAF]  }
0x29: {  	s4 =	sld [smem:$0x3FB1]  }
0x2a: {  	p0 =	seq.s32 s5, $0x0;
	s5 =	sld [smem:$0x3FB2]  }
0x2b: {  	s6 =	sld [smem:$0x3FB3]  }
0x2c: {  	s7 =	sld [smem:$0x3FB4]  }
0x2d: {  	s3 =	simm.s32 $0x108;
	s8 =	sld [smem:$0x3FB5]  }
0x2e: {  	s3 =	simm.s32 @!p0 $0x1082;
	s9 =	sld [smem:$0x3FB6]  }
0x2f: {  	lr =	sadd.s32 s0, s3;
	s0 =	sld [smem:$0x3FAD]  }
0x30: {  	s3 =	sld [smem:$0x3FB0]  }
0x31: {  	[smem:$0x3FB9] =	sst s10  }
0x32: {  	s10 =	sld [smem:$0x3FB7];
	_ =	sdelay $0x3  }
0x33: {  	p0 =	seq.s32 s10, $0x1;
	s10 =	sld [smem:$0x3FB9];
	_ =	sdelay $0x3  }
0x34: {  	[smem:$0x3FB9] =	sst s10  }
0x35: {  	s10 =	sld [smem:$0x3FB8];
	_ =	sdelay $0x3  }
0x36: {  	p1 =	seq.s32 s10, $0x1;
	s10 =	sld [smem:$0x3FB9];
	_ =	sdelay $0x3  }
0x37: {  	[smem:$0x3FB9] =	sst s10  }
0x38: {  	s10 =	sld [smem:$0x3FBA]  }
0x39: {  	_ = 	snop;
	(pc) =	sbr.ind lr, $3  }
0x3a: {  	_ = 	snop  }
0x3b: {  	_ = 	snop  }
0x3c: {  	p2 =	seq.s32 s10, $0x1;
	s10 =	sld [smem:$0x3FB9]  }
0x3d: {  	_ =	shalt  }
0x3e: {  	_ =	shalt  }
0x3f: {  	_ =	shalt  }
0x40: {  	_ =	shalt  }
0x41: {  	_ =	shalt  }
0x42: {  	_ =	shalt  }
0x43: {  	_ =	shalt  }
0x44: {  	_ =	shalt  }
0x45: {  	_ =	shalt  }
0x46: {  	_ =	shalt  }
0x47: {  	_ =	shalt  }
0x48: {  	_ =	shalt  }
0x49: {  	_ =	shalt  }
0x4a: {  	_ =	shalt  }
0x4b: {  	_ =	shalt  }
0x4c: {  	_ =	shalt  }
0x4d: {  	_ =	shalt  }
0x4e: {  	_ =	shalt  }
0x4f: {  	_ =	shalt  }
0x50: {  	_ =	shalt  }
0x51: {  	_ =	shalt  }
0x52: {  	_ =	shalt  }
0x53: {  	_ =	shalt  }
0x54: {  	_ =	shalt  }
0x55: {  	_ =	shalt  }
0x56: {  	_ =	shalt  }
0x57: {  	_ =	shalt  }
0x58: {  	_ =	shalt  }
0x59: {  	_ =	shalt  }
0x5a: {  	_ =	shalt  }
0x5b: {  	_ =	shalt  }
0x5c: {  	_ =	shalt  }
0x5d: {  	_ =	shalt  }
0x5e: {  	_ =	shalt  }
0x5f: {  	_ =	shalt  }
0x60: {  	_ =	shalt  }
0x61: {  	_ =	shalt  }
0x62: {  	_ =	shalt  }
0x63: {  	_ =	shalt  }
0x64: {  	_ =	shalt  }
0x65: {  	_ =	shalt  }
0x66: {  	_ =	shalt  }
0x67: {  	_ =	shalt  }
0x68: {  	_ =	shalt  }
0x69: {  	_ =	shalt  }
0x6a: {  	_ =	shalt  }
0x6b: {  	_ =	shalt  }
0x6c: {  	_ =	shalt  }
0x6d: {  	_ =	shalt  }
0x6e: {  	_ =	shalt  }
0x6f: {  	_ =	shalt  }
0x70: {  	_ =	shalt  }
0x71: {  	_ =	shalt  }
0x72: {  	_ =	shalt  }
0x73: {  	_ =	shalt  }
0x74: {  	_ =	shalt  }
0x75: {  	_ =	shalt  }
0x76: {  	_ =	shalt  }
0x77: {  	_ =	shalt  }
0x78: {  	_ =	shalt  }
0x79: {  	_ =	shalt  }
0x7a: {  	_ =	shalt  }
0x7b: {  	_ =	shalt  }
0x7c: {  	_ =	shalt  }
0x7d: {  	_ =	shalt  }
0x7e: {  	_ =	shalt  }
0x7f: {  	_ =	shalt  }
0x80: {  	_ =	shalt  }
0x81: {  	_ =	shalt  }
0x82: {  	_ =	shalt  }
0x83: {  	_ =	shalt  }
0x84: {  	_ =	shalt  }
0x85: {  	_ =	shalt  }
0x86: {  	_ =	shalt  }
0x87: {  	_ =	shalt  }
.Lfunc_end0:
.L_simem_size_0:
called_computation_lowered:
.L_overlay_start_0:
0x88: {  	s2 =	sld [smem:$0x3FD9]  }
0x89: {  	s3 =	sld [smem:$0x3FFE];
	_ =	sdelay $0x1  }
0x8a: {  	s1 =	srdreg.scid  }
0x8b: {  	s0 =	sand.u32 $0x1, s1  }
0x8c: {  	s18 =	sshll.u32 s0, $0xA;
	s2 =	sadd.s32 s3, s2  }
0x8d: {  	s2 =	sadd.s32 s2, s18  }
0x8e: {  	[smem:$0x3FC5] =	sst s2  }
0x8f: {  	_ = 	snop  }
0x90: {  	s2 =	sld [smem:$0x3FC9]  }
0x91: {  	s19 =	sld [smem:$0x3FC8]  }
0x92: {  	s4 =	sld [smem:$0x3FC7]  }
0x93: {  	s5 =	sld [smem:$0x3FD0];
	(tm) =	ssettm $0x1  }
0x94: {  	s6 =	sld [smem:$0x3FFB];
	_ =	sdelay $0x3  }
0x95: {  	_ =	strace s6  }
0x96: {  	s6 =	sld [smem:$0x3FFC];
	_ =	sdelay $0x3  }
0x97: {  	_ =	strace s6  }
0x98: {  	s6 =	sld [smem:$0x3FFD];
	_ =	sdelay $0x3  }
0x99: {  	_ =	strace s6  }
0x9a: {  	_ =	strace $0x8FFFFFFF  }
0x9b: {  	s20 =	sld [smem:$0x3FDB];
	_ =	sdelay $0x1  }
0x9c: {  	s7 =	simm.s32 $_scs_section_size  }
0x9d: {  	s8 =	simm.s32 $_size__tile_overlayer_lowered;
	s9 =	simm.s32 $_tile_overlayer_lowered  }
0x9e: {  	s23 =	simm.s32 $0x1BFF;
	s22 =	sshll.u32 s9, $0x1;
	s6 =	sadd.s32 s7, s20  }
0x9f: {  	s10 =	simm.s32 $0x0;
	s21 =	sshll.u32 s8, $0x1;
	s8 =	sadd.s32 s22, s6  }
0xa0: {  	[timem:s10], [sflag:s23] =	dma.local [hbm:s8], s21  }
0xa1: {  	_ =	swait.ge [sflag:s23], s21  }
0xa2: {  	s7 =	ssub.s32 $0x0, s21;
	[sflag:s23] =	ssyncset.done $0x0  }
0xa3: {  	[sflag:s23] =	ssyncadd.s32 s7;
	_ =	sdelay $0x1  }
0xa4: {  	s24 =	simm.s32 $0x1B8B  }
0xa5: {  	_ =	swait.ge [sflag:s24], $0x1  }
0xa6: {  	[sflag:s24] =	ssyncset.done $0x0  }
0xa7: {  	s25 =	simm.s32 $0x1B8E;
	[sflag:s24] =	ssyncadd.s32 $0xFFFFFFFF  }
0xa8: {  	s26 =	simm.s32 $execute0_lowered;
	[smem:$0x3FD2] =	sst s25  }
0xa9: {  	s7 =	sshll.u32 s26, $0x1;
	_ =	strace $0x80000046;
	[dreg:$0x1] =	wrdreg $0xFFFFFFFF  }
0xaa: {  	s28 =	simm.s32 $_size_execute0_lowered;
	s6 =	sadd.s32 s6, s7;
	[dreg:$0x0] =	wrdreg $0x0  }
0xab: {  	s7 =	sshll.u32 s28, $0x1;
	[dreg:$0x2] =	wrdreg s6  }
0xac: {  	[dreg:$0x3] =	wrdreg s7  }
0xad: {  	[dreg:$0x4] =	wrdreg $0xC0  }
0xae: {  	_ =	task [dreg:s10], $0x5FFFF  }
0xaf: {  	[dreg:$0x1] =	wrdreg $0xFFFFFFFF  }
0xb0: {  	[dreg:$0x0] =	wrdreg $0x60  }
0xb1: {  	[dreg:$0x2] =	wrdreg s2  }
0xb2: {  	[dreg:$0x3] =	wrdreg s19  }
0xb3: {  	[dreg:$0x4] =	wrdreg s4  }
0xb4: {  	[dreg:$0x5] =	wrdreg s5  }
0xb5: {  	[dreg:$0x6] =	wrdreg $0x9  }
0xb6: {  	_ =	task.clear_ibuf [dreg:s10], $0x7FFFF;
	_ =	strace $0x90000046  }
0xb7: {  	s29 =	simm.s32 $0x9;
	_ =	strace $0x80000048  }
0xb8: {  	_ =	swait.ge [sflag:s29], $0x1  }
0xb9: {  	[sflag:s29] =	ssyncadd.s32 $0xFFFFFFFF  }
0xba: {  	_ =	strace $0x90000048  }
0xbb: {  	_ =	sfence  }
0xbc: {  	s30 =	sld [smem:$0x0];
	_ =	sdelay $0x2  }
0xbd: {  	s31 =	sshll.u32 s1, $0xD;
	s1 =	sshrl.u32 s1, $0x2  }
0xbe: {  	s3 =	sand.u32 $0x4000, s31;
	s1 =	sadd.s32 s1, s30  }
0xbf: {  	s0 =	sor.u32 s3, s0;
	s1 =	sshll.u32 s1, $0x11  }
0xc0: {  	s0 =	sor.u32 s1, s0  }
0xc1: {  	s0 =	sadd.s32 $0x8F2B, s0  }
0xc2: {  	[sflag:s0] =	ssyncadd.remote.s32 $0x1  }
0xc3: {  	_ =	sfence.sel $0xFFFF  }
0xc4: {  	[dreg:$0x0] =	wrdreg $0xFFFFFFFF;
	(pc) =	sbr.abs _section_cstart, $3  }
0xc5: {  	[dreg:$0x1] =	wrdreg $0xFFFFFFFF  }
0xc6: {  	_ =	task.clear_ibuf [dreg:s10], $0x2FFFF;
	_ =	strace $0x9FFFFFFF  }
0xc7: {  	(tm) =	ssettm $0x7FFFFFFF  }
tec
execute0_lowered:
.L_overlay_start_1:
0x0: {  	(tag) =	ssettag $0x1  }
0x1: {  	s0 =	rddreg [dreg:$0x0]  }
0x2: {  	s1 =	rddreg [dreg:$0x1]  }
0x3: {  	s2 =	rddreg [dreg:$0x2]  }
0x4: {  	s3 =	rddreg [dreg:$0x3];
	s4 =	srdreg.scid  }
0x5: {  	s5 =	simm.s32 $0x0;
	s8 =	stileid.u32;
	s28 =	simm.s32 $0x6100  }
0x6: {  	s29 =	simm.s32 $0xE100;
	s30 =	simm.s32 $0x1;
	s31 =	simm.s32 $0x5  }
0x7: {  	s4 =	sand.u32 $0x1, s4;
	[smem:$0x7FF] =	sst s5;
	s6 =	sshll.u32 s8, $0x1  }
0x8: {  	s25 =	sshll.u32 s8, $0xC;
	s16 =	ssub.s32 $0x2, s4;
	_ =	strace $0x80000047  }
0x9: {  	s4 =	sor.u32 s4, s6;
	s26 =	sand.u32 $0xC000, s25;
	s25 =	simm.s32 $0x4  }
0xa: {  	s7 =	sshrl.u32 s16, $0x1;
	s6 =	sshll.u32 s4, $0x10;
	s4 =	sshll.u32 s4, $0x4  }
0xb: {  	s5 =	ssub.s32 s16, s7;
	s0 =	sadd.s32 s0, s4;
	s17 =	sadd.s32 s1, s6  }
0xc: {  	s18 =	sor.u32 $0x20, s6;
	s19 =	sadd.s32 s2, s6;
	s21 =	sor.u32 $0x40, s6  }
0xd: {  	s23 =	sor.u32 $0x60, s6;
	s14 =	sor.u32 $0x1000, s6;
	[dreg:$0x5] =	wrdreg s0  }
0xe: {  	s15 =	sor.u32 $0x1020, s6;
	s4 =	sand.u32 $0x70, s4;
	[dreg:$0x6] =	wrdreg s17  }
0xf: {  	s16 =	sor.u32 $0x1040, s6;
	[dreg:$0x7] =	wrdreg s19;
	s20 =	sadd.s32 s1, s18  }
0x10: {  	s0 =	sadd.s32 s2, s18;
	s22 =	sadd.s32 s1, s21;
	[dreg:$0x8] =	wrdreg s20  }
0x11: {  	s7 =	sadd.s32 s2, s21;
	s24 =	sadd.s32 s1, s23;
	[dreg:$0x9] =	wrdreg s0  }
0x12: {  	s13 =	sadd.s32 s2, s23;
	s18 =	smax.u32 s5, $0x1;
	[dreg:$0xa] =	wrdreg s22  }
.Ltmp0:
0x13: {  	s19 =	simm.s32 $0x9;
	[dreg:$0xb] =	wrdreg s7;
	(pc) =	sbr.rel .LBB2_1-.Ltmp0, $4  }
0x14: {  	s21 =	simm.s32 $0x100;
	s23 =	simm.s32 $0x3;
	[dreg:$0xc] =	wrdreg s24  }
0x15: {  	s0 =	sadd.s32 s3, s26;
	s20 =	simm.s32 $0x400;
	s3 =	simm.s32 $0x2  }
0x16: {  	s22 =	simm.s32 $0x6;
	s24 =	simm.s32 $0x7;
	s26 =	simm.s32 $0x8  }
0x17: {  	v0 =	vimm.f32 $0.0e+00;
	s17 =	sadd.s32 s4, s0;
	s0 =	simm.s32 $0x10100;
	s4 =	simm.s32 $0x0  }
.LBB2_22:
0x18: {  	s4 =	sadd.s32 $0x1, s4  }
0x19: {  	p0 =	sne.s32 s4, s18  }
.Ltmp1:
0x1a: {  	s5 =	simm.s32 $0x80;
	(pc) =	sbr.rel @!p0 .LBB2_23-.Ltmp1, $4  }
0x1b: {  	[hbm4b:s17+s5] =	stream.strided.scatter [tilespmem:s0], [sflag:$0x9], $0x4000, s20, s5, $0x38;
	[tilespmem:$0x14100] =	vst v63  }
0x1c: {  	_ =	swait.ge [sflag:s19], $0x4000  }
0x1d: {  	[sflag:s19] =	ssyncset.done $0x0  }
0x1e: {  	[sflag:s19] =	ssyncadd.s32 $0xFFFFC000  }
.LBB2_1:
0x1f: {  	s5 =	simm.s32 $0x0;
	s6 =	rddreg [dreg:$0x5]  }
0x20: {  	[tilespmem:s5], [sflag:$0x9] =	stream.linear.gather [hbm4b:s6+s5], $0x80, $0x38;
	[tilespmem:$0x14100] =	vst v63  }
0x21: {  	_ =	swait.ge [sflag:s19], $0x80  }
0x22: {  	[sflag:s19] =	ssyncset.done $0x0  }
0x23: {  	s5 =	simm.s32 $0x10140;
	[sflag:s19] =	ssyncadd.s32 $0xFFFFFF80  }
0x24: {  	[tilespmem:s5+$0xFFFFFFC0] =	vst v0  }
0x25: {  	[tilespmem:s5+$0x30] =	vst v0  }
0x26: {  	[tilespmem:s5+$0x20] =	vst v0  }
0x27: {  	[tilespmem:s5+$0x10] =	vst v0  }
0x28: {  	[tilespmem:s5+$0x0] =	vst v0  }
0x29: {  	[tilespmem:s5+$0xFFFFFFF0] =	vst v0  }
0x2a: {  	s6 =	simm.s32 $0x0;
	[tilespmem:s5+$0xFFFFFFE0] =	vst v0  }
.LBB2_2:
0x2b: {  	s6 =	sadd.s32 $0x8, s6;
	[tilespmem:s5+$0xFFFFFFD0] =	vst v0;
	s5 =	sadd.s32 $0x80, s5  }
0x2c: {  	[tilespmem:s5+$0xFFFFFFC0] =	vst v0;
	p0 =	slt.u32 s6, $0x3F8  }
0x2d: {  	[tilespmem:s5+$0x30] =	vst v0  }
.Ltmp2:
0x2e: {  	[tilespmem:s5+$0x20] =	vst v0;
	(pc) =	sbr.rel @p0 .LBB2_2-.Ltmp2, $4  }
0x2f: {  	[tilespmem:s5+$0x10] =	vst v0  }
0x30: {  	[tilespmem:s5+$0x0] =	vst v0  }
0x31: {  	[tilespmem:s5+$0xFFFFFFF0] =	vst v0  }
0x32: {  	[tilespmem:s5+$0xFFFFFFE0] =	vst v0  }
0x33: {  	[tilespmem:s5+$0xFFFFFFD0] =	vst v0  }
0x34: {  	s5 =	rddreg [dreg:$0x6]  }
0x35: {  	[tilespmem:s21], [sflag:$0x1] =	stream.strided.gather [hbm4b:s5+s21], $0x2000, s20, s21, $0x38;
	[tilespmem:$0x14100] =	vst v63  }
0x36: {  	s6 =	simm.s32 $0x8100;
	s10 =	rddreg [dreg:$0x7]  }
0x37: {  	[tilespmem:s6], [sflag:$0x5] =	stream.strided.gather [hbm4b:s10+s21], $0x2000, s20, s21, $0x38;
	[tilespmem:$0x14100] =	vst v63  }
0x38: {  	s12 =	simm.s32 $0x2100;
	s11 =	rddreg [dreg:$0x8]  }
0x39: {  	[tilespmem:s12], [sflag:$0x2] =	stream.strided.gather [hbm4b:s11+s21], $0x2000, s20, s21, $0x38;
	[tilespmem:$0x14100] =	vst v63  }
0x3a: {  	s7 =	simm.s32 $0xA100;
	s6 =	rddreg [dreg:$0x9]  }
0x3b: {  	[tilespmem:s7], [sflag:$0x6] =	stream.strided.gather [hbm4b:s6+s21], $0x2000, s20, s21, $0x38;
	[tilespmem:$0x14100] =	vst v63  }
0x3c: {  	s9 =	simm.s32 $0x4100;
	s8 =	rddreg [dreg:$0xa]  }
0x3d: {  	[tilespmem:s9], [sflag:$0x3] =	stream.strided.gather [hbm4b:s8+s21], $0x2000, s20, s21, $0x38;
	[tilespmem:$0x14100] =	vst v63  }
0x3e: {  	s10 =	rddreg [dreg:$0xb];
	s11 =	simm.s32 $0xC100  }
0x3f: {  	[tilespmem:s11], [sflag:$0x7] =	stream.strided.gather [hbm4b:s10+s21], $0x2000, s20, s21, $0x38;
	[tilespmem:$0x14100] =	vst v63  }
0x40: {  	s12 =	rddreg [dreg:$0xc]  }
0x41: {  	[tilespmem:s28], [sflag:$0x4] =	stream.strided.gather [hbm4b:s12+s21], $0x2000, s20, s21, $0x38;
	[tilespmem:$0x14100] =	vst v63  }
0x42: {  	s5 =	simm.s32 $0x0  }
0x43: {  	[tilespmem:s29], [sflag:$0x8] =	stream.strided.gather [hbm4b:s13+s21], $0x2000, s20, s21, $0x38;
	[tilespmem:$0x14100] =	vst v63  }
.LBB2_4:
0x44: {  	_ =	swait.ge [sflag:s30], $0x2000  }
0x45: {  	[sflag:s30] =	ssyncset.done $0x0  }
0x46: {  	[sflag:s30] =	ssyncadd.s32 $0xFFFFE000  }
0x47: {  	_ =	swait.ge [sflag:s31], $0x2000  }
0x48: {  	s6 =	sshll.u32 s5, $0x3;
	[sflag:s31] =	ssyncset.done $0x0  }
0x49: {  	s6 =	sand.u32 $0x3FFFFFF8, s6;
	[sflag:s31] =	ssyncadd.s32 $0xFFFFE000  }
0x4a: {  	s8 =	simm.s32 $0x8200;
	v1 =	vld.msk [tilespmem:s6+$0x0 ss:$0x0], $0xffff  }
0x4b: {  	s7 =	simm.s32 $0x200;
	v2 =	vld [tilespmem:s8+$0x70]  }
0x4c: {  	v3 =	vld [tilespmem:s7+$0x70]  }
0x4d: {  	v4 =	vld [tilespmem:s7+$0xFFFFFF10]  }
0x4e: {  	v5 =	vld [tilespmem:s7+$0xFFFFFF20]  }
0x4f: {  	v6 =	vld [tilespmem:s7+$0xFFFFFF30]  }
0x50: {  	v7 =	vld [tilespmem:s7+$0xFFFFFF40]  }
0x51: {  	v8 =	vld [tilespmem:s7+$0xFFFFFF50]  }
0x52: {  	v9 =	vld [tilespmem:s7+$0xFFFFFF60]  }
0x53: {  	v10 =	vld [tilespmem:s7+$0x10]  }
0x54: {  	v11 =	vld [tilespmem:s7+$0x20]  }
0x55: {  	v12 =	vld [tilespmem:s7+$0x30]  }
0x56: {  	v13 =	vld [tilespmem:s7+$0x40]  }
0x57: {  	v14 =	vld [tilespmem:s7+$0x50]  }
0x58: {  	v15 =	vld [tilespmem:s7+$0x60]  }
0x59: {  	v16 =	vld [tilespmem:s7+$0xFFFFFF00]  }
0x5a: {  	v17 =	vld [tilespmem:s8+$0xFFFFFF00]  }
0x5b: {  	v18 =	vld [tilespmem:s8+$0xFFFFFF10]  }
0x5c: {  	v19 =	vld [tilespmem:s8+$0xFFFFFF20]  }
0x5d: {  	v20 =	vld [tilespmem:s8+$0xFFFFFF30]  }
0x5e: {  	v21 =	vld [tilespmem:s8+$0xFFFFFF40]  }
0x5f: {  	v22 =	vld [tilespmem:s8+$0xFFFFFF50]  }
0x60: {  	v23 =	vld [tilespmem:s8+$0xFFFFFF60]  }
0x61: {  	v24 =	vld [tilespmem:s8+$0xFFFFFF70]  }
0x62: {  	v25 =	vld [tilespmem:s8+$0x0]  }
0x63: {  	v26 =	vld [tilespmem:s8+$0x10]  }
0x64: {  	v27 =	vld [tilespmem:s8+$0x20]  }
0x65: {  	v28 =	vld [tilespmem:s8+$0x30]  }
0x66: {  	v29 =	vld [tilespmem:s8+$0x40]  }
0x67: {  	v30 =	vld [tilespmem:s8+$0x50];
	v3 =	vmul.f32 v3, v1  }
0x68: {  	v31 =	vld [tilespmem:s8+$0x60]  }
0x69: {  	[tilespmem:v2+s0+$0x0] =	vst.idx.add.f32.msk $0xffff, v3  }
0x6a: {  	v16 =	vmul.f32 v16, v1;
	v2 =	vld [tilespmem:s7+$0xFFFFFF70]  }
0x6b: {  	v4 =	vmul.f32 v4, v1;
	v3 =	vld [tilespmem:s7+$0x0]  }
0x6c: {  	v5 =	vmul.f32 v5, v1;
	[tilespmem:v17+s0+$0x0] =	vst.idx.add.f32.msk $0xffff, v16  }
0x6d: {  	v6 =	vmul.f32 v6, v1;
	[tilespmem:v18+s0+$0x0] =	vst.idx.add.f32.msk $0xffff, v4  }
0x6e: {  	v59 =	vmul.f32 v7, v1;
	[tilespmem:v19+s0+$0x0] =	vst.idx.add.f32.msk $0xffff, v5  }
0x6f: {  	v60 =	vmul.f32 v8, v1;
	[tilespmem:v20+s0+$0x0] =	vst.idx.add.f32.msk $0xffff, v6  }
0x70: {  	v61 =	vmul.f32 v9, v1;
	[tilespmem:v21+s0+$0x0] =	vst.idx.add.f32.msk $0xffff, v59  }
0x71: {  	v62 =	vmul.f32 v10, v1;
	[tilespmem:v22+s0+$0x0] =	vst.idx.add.f32.msk $0xffff, v60  }
0x72: {  	v63 =	vmul.f32 v13, v1;
	[tilespmem:v23+s0+$0x0] =	vst.idx.add.f32.msk $0xffff, v61  }
0x73: {  	[tilespmem:v26+s0+$0x0] =	vst.idx.add.f32.msk $0xffff, v62;
	v2 =	vmul.f32 v2, v1  }
0x74: {  	[tilespmem:v29+s0+$0x0] =	vst.idx.add.f32.msk $0xffff, v63;
	v3 =	vmul.f32 v3, v1  }
0x75: {  	[tilespmem:v24+s0+$0x0] =	vst.idx.add.f32.msk $0xffff, v2;
	v2 =	vmul.f32 v11, v1  }
0x76: {  	[tilespmem:v25+s0+$0x0] =	vst.idx.add.f32.msk $0xffff, v3;
	v3 =	vmul.f32 v12, v1  }
0x77: {  	[tilespmem:v27+s0+$0x0] =	vst.idx.add.f32.msk $0xffff, v2;
	v2 =	vmul.f32 v14, v1  }
0x78: {  	[tilespmem:v28+s0+$0x0] =	vst.idx.add.f32.msk $0xffff, v3;
	v3 =	vmul.f32 v15, v1  }
0x79: {  	[tilespmem:v30+s0+$0x0] =	vst.idx.add.f32.msk $0xffff, v2  }
0x7a: {  	s9 =	simm.s32 $0x8400;
	s8 =	simm.s32 $0x0;
	[tilespmem:v31+s0+$0x0] =	vst.idx.add.f32.msk $0xffff, v3  }
.LBB2_5:
0x7b: {  	v2 =	vld [tilespmem:s9+$0x70];
	s8 =	sadd.s32 $0x10, s8;
	s7 =	sadd.s32 $0x200, s7  }
0x7c: {  	v3 =	vld [tilespmem:s7+$0x70];
	p0 =	slt.u32 s8, $0xF0  }
0x7d: {  	v4 =	vld [tilespmem:s7+$0xFFFFFF10]  }
0x7e: {  	v5 =	vld [tilespmem:s7+$0xFFFFFF20]  }
0x7f: {  	v6 =	vld [tilespmem:s7+$0xFFFFFF30]  }
0x80: {  	v7 =	vld [tilespmem:s7+$0xFFFFFF40]  }
0x81: {  	v8 =	vld [tilespmem:s7+$0xFFFFFF50];
	v3 =	vmul.f32 v3, v1  }
0x82: {  	v4 =	vmul.f32 v4, v1;
	v9 =	vld [tilespmem:s7+$0xFFFFFF60]  }
0x83: {  	v5 =	vmul.f32 v5, v1;
	[tilespmem:v2+s0+$0x0] =	vst.idx.add.f32.msk $0xffff, v3  }
0x84: {  	v2 =	vmul.f32 v6, v1;
	v3 =	vld [tilespmem:s7+$0xFFFFFF70]  }
0x85: {  	v6 =	vmul.f32 v7, v1;
	v7 =	vld [tilespmem:s7+$0x0]  }
0x86: {  	v8 =	vmul.f32 v8, v1;
	v10 =	vld [tilespmem:s7+$0x10]  }
0x87: {  	v9 =	vmul.f32 v9, v1;
	v11 =	vld [tilespmem:s7+$0x20]  }
0x88: {  	v12 =	vld [tilespmem:s7+$0x30]  }
0x89: {  	v3 =	vmul.f32 v3, v1;
	v13 =	vld [tilespmem:s7+$0x40]  }
0x8a: {  	v7 =	vmul.f32 v7, v1;
	v14 =	vld [tilespmem:s7+$0x50]  }
0x8b: {  	v10 =	vmul.f32 v10, v1;
	v15 =	vld [tilespmem:s7+$0x60]  }
0x8c: {  	v16 =	vld [tilespmem:s7+$0xFFFFFF00];
	v11 =	vmul.f32 v11, v1  }
0x8d: {  	v17 =	vld [tilespmem:s9+$0xFFFFFF00];
	v12 =	vmul.f32 v12, v1  }
0x8e: {  	v18 =	vld [tilespmem:s9+$0xFFFFFF10];
	v13 =	vmul.f32 v13, v1  }
0x8f: {  	v19 =	vld [tilespmem:s9+$0xFFFFFF20];
	v14 =	vmul.f32 v14, v1  }
0x90: {  	v20 =	vld [tilespmem:s9+$0xFFFFFF30];
	v15 =	vmul.f32 v15, v1  }
0x91: {  	v16 =	vmul.f32 v16, v1;
	v21 =	vld [tilespmem:s9+$0xFFFFFF40]  }
0x92: {  	v22 =	vld [tilespmem:s9+$0xFFFFFF50]  }
0x93: {  	v23 =	vld [tilespmem:s9+$0xFFFFFF60]  }
0x94: {  	v24 =	vld [tilespmem:s9+$0xFFFFFF70]  }
0x95: {  	v25 =	vld [tilespmem:s9+$0x0]  }
0x96: {  	v26 =	vld [tilespmem:s9+$0x10]  }
0x97: {  	v27 =	vld [tilespmem:s9+$0x20]  }
0x98: {  	v28 =	vld [tilespmem:s9+$0x30]  }
0x99: {  	v29 =	vld [tilespmem:s9+$0x40]  }
0x9a: {  	v30 =	vld [tilespmem:s9+$0x50]  }
0x9b: {  	v31 =	vld [tilespmem:s9+$0x60]  }
0x9c: {  	[tilespmem:v17+s0+$0x0] =	vst.idx.add.f32.msk $0xffff, v16  }
0x9d: {  	[tilespmem:v18+s0+$0x0] =	vst.idx.add.f32.msk $0xffff, v4  }
0x9e: {  	[tilespmem:v19+s0+$0x0] =	vst.idx.add.f32.msk $0xffff, v5  }
0x9f: {  	[tilespmem:v20+s0+$0x0] =	vst.idx.add.f32.msk $0xffff, v2  }
0xa0: {  	[tilespmem:v21+s0+$0x0] =	vst.idx.add.f32.msk $0xffff, v6  }
0xa1: {  	[tilespmem:v22+s0+$0x0] =	vst.idx.add.f32.msk $0xffff, v8  }
0xa2: {  	[tilespmem:v23+s0+$0x0] =	vst.idx.add.f32.msk $0xffff, v9  }
0xa3: {  	[tilespmem:v24+s0+$0x0] =	vst.idx.add.f32.msk $0xffff, v3  }
0xa4: {  	[tilespmem:v25+s0+$0x0] =	vst.idx.add.f32.msk $0xffff, v7  }
0xa5: {  	[tilespmem:v26+s0+$0x0] =	vst.idx.add.f32.msk $0xffff, v10  }
.Ltmp3:
0xa6: {  	[tilespmem:v27+s0+$0x0] =	vst.idx.add.f32.msk $0xffff, v11;
	(pc) =	sbr.rel @p0 .LBB2_5-.Ltmp3, $4  }
0xa7: {  	[tilespmem:v28+s0+$0x0] =	vst.idx.add.f32.msk $0xffff, v12  }
0xa8: {  	[tilespmem:v29+s0+$0x0] =	vst.idx.add.f32.msk $0xffff, v13  }
0xa9: {  	[tilespmem:v30+s0+$0x0] =	vst.idx.add.f32.msk $0xffff, v14  }
0xaa: {  	s9 =	sadd.s32 $0x200, s9;
	[tilespmem:v31+s0+$0x0] =	vst.idx.add.f32.msk $0xffff, v15  }
0xab: {  	v1 =	vld.msk [tilespmem:s6+$0x1 ss:$0x0], $0xffff;
	s8 =	simm.s32 $0x8280  }
0xac: {  	s7 =	simm.s32 $0x280;
	v2 =	vld [tilespmem:s8+$0x70]  }
0xad: {  	v3 =	vld [tilespmem:s7+$0x70]  }
0xae: {  	v4 =	vld [tilespmem:s7+$0xFFFFFF10]  }
0xaf: {  	v5 =	vld [tilespmem:s7+$0xFFFFFF20]  }
0xb0: {  	v6 =	vld [tilespmem:s7+$0xFFFFFF30]  }
0xb1: {  	v7 =	vld [tilespmem:s7+$0xFFFFFF40]  }
0xb2: {  	v8 =	vld [tilespmem:s7+$0xFFFFFF50]  }
0xb3: {  	v9 =	vld [tilespmem:s7+$0xFFFFFF60]  }
0xb4: {  	v10 =	vld [tilespmem:s7+$0x10]  }
0xb5: {  	v11 =	vld [tilespmem:s7+$0x20]  }
0xb6: {  	v12 =	vld [tilespmem:s7+$0x30]  }
0xb7: {  	v13 =	vld [tilespmem:s7+$0x40]  }
0xb8: {  	v14 =	vld [tilespmem:s7+$0x50]  }
0xb9: {  	v15 =	vld [tilespmem:s7+$0x60]  }
0xba: {  	v16 =	vld [tilespmem:s7+$0xFFFFFF00]  }
0xbb: {  	v17 =	vld [tilespmem:s8+$0xFFFFFF00]  }
0xbc: {  	v18 =	vld [tilespmem:s8+$0xFFFFFF10]  }
0xbd: {  	v19 =	vld [tilespmem:s8+$0xFFFFFF20]  }
0xbe: {  	v20 =	vld [tilespmem:s8+$0xFFFFFF30]  }
0xbf: {  	v21 =	vld [tilespmem:s8+$0xFFFFFF40]  }
0xc0: {  	v22 =	vld [tilespmem:s8+$0xFFFFFF50]  }
0xc1: {  	v23 =	vld [tilespmem:s8+$0xFFFFFF60]  }
0xc2: {  	v24 =	vld [tilespmem:s8+$0xFFFFFF70]  }
0xc3: {  	v25 =	vld [tilespmem:s8+$0x0]  }
0xc4: {  	v26 =	vld [tilespmem:s8+$0x10]  }
0xc5: {  	v27 =	vld [tilespmem:s8+$0x20]  }
0xc6: {  	v28 =	vld [tilespmem:s8+$0x30]  }
0xc7: {  	v29 =	vld [tilespmem:s8+$0x40]  }
0xc8: {  	v30 =	vld [tilespmem:s8+$0x50];
	v3 =	vmul.f32 v3, v1  }
0xc9: {  	v31 =	vld [tilespmem:s8+$0x60]  }
0xca: {  	[tilespmem:v2+s0+$0x0] =	vst.idx.add.f32.msk $0xffff, v3  }
0xcb: {  	v16 =	vmul.f32 v16, v1;
	v2 =	vld [tilespmem:s7+$0xFFFFFF70]  }
0xcc: {  	v4 =	vmul.f32 v4, v1;
	v3 =	vld [tilespmem:s7+$0x0]  }
0xcd: {  	v5 =	vmul.f32 v5, v1;
	[tilespmem:v17+s0+$0x0] =	vst.idx.add.f32.msk $0xffff, v16  }
0xce: {  	v6 =	vmul.f32 v6, v1;
	[tilespmem:v18+s0+$0x0] =	vst.idx.add.f32.msk $0xffff, v4  }
0xcf: {  	v59 =	vmul.f32 v7, v1;
	[tilespmem:v19+s0+$0x0] =	vst.idx.add.f32.msk $0xffff, v5  }
0xd0: {  	v60 =	vmul.f32 v8, v1;
	[tilespmem:v20+s0+$0x0] =	vst.idx.add.f32.msk $0xffff, v6  }
0xd1: {  	v61 =	vmul.f32 v9, v1;
	[tilespmem:v21+s0+$0x0] =	vst.idx.add.f32.msk $0xffff, v59  }
0xd2: {  	v62 =	vmul.f32 v10, v1;
	[tilespmem:v22+s0+$0x0] =	vst.idx.add.f32.msk $0xffff, v60  }
0xd3: {  	v63 =	vmul.f32 v13, v1;
	[tilespmem:v23+s0+$0x0] =	vst.idx.add.f32.msk $0xffff, v61  }
0xd4: {  	[tilespmem:v26+s0+$0x0] =	vst.idx.add.f32.msk $0xffff, v62;
	v2 =	vmul.f32 v2, v1  }
0xd5: {  	[tilespmem:v29+s0+$0x0] =	vst.idx.add.f32.msk $0xffff, v63;
	v3 =	vmul.f32 v3, v1  }
0xd6: {  	[tilespmem:v24+s0+$0x0] =	vst.idx.add.f32.msk $0xffff, v2;
	v2 =	vmul.f32 v11, v1  }
0xd7: {  	[tilespmem:v25+s0+$0x0] =	vst.idx.add.f32.msk $0xffff, v3;
	v3 =	vmul.f32 v12, v1  }
0xd8: {  	[tilespmem:v27+s0+$0x0] =	vst.idx.add.f32.msk $0xffff, v2;
	v2 =	vmul.f32 v14, v1  }
0xd9: {  	[tilespmem:v28+s0+$0x0] =	vst.idx.add.f32.msk $0xffff, v3;
	v3 =	vmul.f32 v15, v1  }
0xda: {  	[tilespmem:v30+s0+$0x0] =	vst.idx.add.f32.msk $0xffff, v2  }
0xdb: {  	s9 =	simm.s32 $0x8480;
	s8 =	simm.s32 $0x0;
	[tilespmem:v31+s0+$0x0] =	vst.idx.add.f32.msk $0xffff, v3  }
.LBB2_7:
0xdc: {  	v2 =	vld [tilespmem:s9+$0x70];
	s8 =	sadd.s32 $0x10, s8;
	s7 =	sadd.s32 $0x200, s7  }
0xdd: {  	v3 =	vld [tilespmem:s7+$0x70];
	p0 =	slt.u32 s8, $0xF0  }
0xde: {  	v4 =	vld [tilespmem:s7+$0xFFFFFF10]  }
0xdf: {  	v5 =	vld [tilespmem:s7+$0xFFFFFF20]  }
0xe0: {  	v6 =	vld [tilespmem:s7+$0xFFFFFF30]  }
0xe1: {  	v7 =	vld [tilespmem:s7+$0xFFFFFF40]  }
0xe2: {  	v8 =	vld [tilespmem:s7+$0xFFFFFF50];
	v3 =	vmul.f32 v3, v1  }
0xe3: {  	v4 =	vmul.f32 v4, v1;
	v9 =	vld [tilespmem:s7+$0xFFFFFF60]  }
0xe4: {  	v5 =	vmul.f32 v5, v1;
	[tilespmem:v2+s0+$0x0] =	vst.idx.add.f32.msk $0xffff, v3  }
0xe5: {  	v2 =	vmul.f32 v6, v1;
	v3 =	vld [tilespmem:s7+$0xFFFFFF70]  }
0xe6: {  	v6 =	vmul.f32 v7, v1;
	v7 =	vld [tilespmem:s7+$0x0]  }
0xe7: {  	v8 =	vmul.f32 v8, v1;
	v10 =	vld [tilespmem:s7+$0x10]  }
0xe8: {  	v9 =	vmul.f32 v9, v1;
	v11 =	vld [tilespmem:s7+$0x20]  }
0xe9: {  	v12 =	vld [tilespmem:s7+$0x30]  }
0xea: {  	v3 =	vmul.f32 v3, v1;
	v13 =	vld [tilespmem:s7+$0x40]  }
0xeb: {  	v7 =	vmul.f32 v7, v1;
	v14 =	vld [tilespmem:s7+$0x50]  }
0xec: {  	v10 =	vmul.f32 v10, v1;
	v15 =	vld [tilespmem:s7+$0x60]  }
0xed: {  	v16 =	vld [tilespmem:s7+$0xFFFFFF00];
	v11 =	vmul.f32 v11, v1  }
0xee: {  	v17 =	vld [tilespmem:s9+$0xFFFFFF00];
	v12 =	vmul.f32 v12, v1  }
0xef: {  	v18 =	vld [tilespmem:s9+$0xFFFFFF10];
	v13 =	vmul.f32 v13, v1  }
0xf0: {  	v19 =	vld [tilespmem:s9+$0xFFFFFF20];
	v14 =	vmul.f32 v14, v1  }
0xf1: {  	v20 =	vld [tilespmem:s9+$0xFFFFFF30];
	v15 =	vmul.f32 v15, v1  }
0xf2: {  	v16 =	vmul.f32 v16, v1;
	v21 =	vld [tilespmem:s9+$0xFFFFFF40]  }
0xf3: {  	v22 =	vld [tilespmem:s9+$0xFFFFFF50]  }
0xf4: {  	v23 =	vld [tilespmem:s9+$0xFFFFFF60]  }
0xf5: {  	v24 =	vld [tilespmem:s9+$0xFFFFFF70]  }
0xf6: {  	v25 =	vld [tilespmem:s9+$0x0]  }
0xf7: {  	v26 =	vld [tilespmem:s9+$0x10]  }
0xf8: {  	v27 =	vld [tilespmem:s9+$0x20]  }
0xf9: {  	v28 =	vld [tilespmem:s9+$0x30]  }
0xfa: {  	v29 =	vld [tilespmem:s9+$0x40]  }
0xfb: {  	v30 =	vld [tilespmem:s9+$0x50]  }
0xfc: {  	v31 =	vld [tilespmem:s9+$0x60]  }
0xfd: {  	[tilespmem:v17+s0+$0x0] =	vst.idx.add.f32.msk $0xffff, v16  }
0xfe: {  	[tilespmem:v18+s0+$0x0] =	vst.idx.add.f32.msk $0xffff, v4  }
0xff: {  	[tilespmem:v19+s0+$0x0] =	vst.idx.add.f32.msk $0xffff, v5  }
0x100: {  	[tilespmem:v20+s0+$0x0] =	vst.idx.add.f32.msk $0xffff, v2  }
0x101: {  	[tilespmem:v21+s0+$0x0] =	vst.idx.add.f32.msk $0xffff, v6  }
0x102: {  	[tilespmem:v22+s0+$0x0] =	vst.idx.add.f32.msk $0xffff, v8  }
0x103: {  	[tilespmem:v23+s0+$0x0] =	vst.idx.add.f32.msk $0xffff, v9  }
0x104: {  	[tilespmem:v24+s0+$0x0] =	vst.idx.add.f32.msk $0xffff, v3  }
0x105: {  	[tilespmem:v25+s0+$0x0] =	vst.idx.add.f32.msk $0xffff, v7  }
0x106: {  	[tilespmem:v26+s0+$0x0] =	vst.idx.add.f32.msk $0xffff, v10  }
.Ltmp4:
0x107: {  	[tilespmem:v27+s0+$0x0] =	vst.idx.add.f32.msk $0xffff, v11;
	(pc) =	sbr.rel @p0 .LBB2_7-.Ltmp4, $4  }
0x108: {  	[tilespmem:v28+s0+$0x0] =	vst.idx.add.f32.msk $0xffff, v12  }
0x109: {  	[tilespmem:v29+s0+$0x0] =	vst.idx.add.f32.msk $0xffff, v13  }
0x10a: {  	[tilespmem:v30+s0+$0x0] =	vst.idx.add.f32.msk $0xffff, v14  }
0x10b: {  	s9 =	sadd.s32 $0x200, s9;
	[tilespmem:v31+s0+$0x0] =	vst.idx.add.f32.msk $0xffff, v15  }
0x10c: {  	s7 =	sshll.u32 s5, $0xC;
	p0 =	seq.s32 s5, $0xF  }
0x10d: {  	s8 =	sadd.s32 @!p0 s7, s14  }
0x10e: {  	s10 =	simm.s32 @!p0 $0x400;
	s11 =	simm.s32 @!p0 $0x100;
	s9 =	sadd.s32 @!p0 s1, s8  }
0x10f: {  	[tilespmem:s11], [sflag:$0x1] =	stream.strided.gather @!p0 [hbm4b:s9+s11], $0x2000, s10, s11, $0x38;
	[tilespmem:$0x14100] =	vst v63  }
0x110: {  	s8 =	sadd.s32 @!p0 s2, s8;
	s9 =	simm.s32 @!p0 $0x8100  }
0x111: {  	[tilespmem:s9], [sflag:$0x5] =	stream.strided.gather @!p0 [hbm4b:s8+s11], $0x2000, s10, s11, $0x38;
	[tilespmem:$0x14100] =	vst v63  }
0x112: {  	_ =	swait.ge [sflag:s3], $0x2000  }
0x113: {  	[sflag:s3] =	ssyncset.done $0x0  }
0x114: {  	[sflag:s3] =	ssyncadd.s32 $0xFFFFE000  }
0x115: {  	_ =	swait.ge [sflag:s22], $0x2000  }
0x116: {  	[sflag:s22] =	ssyncset.done $0x0  }
0x117: {  	[sflag:s22] =	ssyncadd.s32 $0xFFFFE000  }
0x118: {  	s12 =	simm.s32 $0xA270;
	v1 =	vld.msk [tilespmem:s6+$0x2 ss:$0x0], $0xffff  }
0x119: {  	s8 =	simm.s32 $0x2270;
	v2 =	vld [tilespmem:s12+$0x0]  }
0x11a: {  	v3 =	vld [tilespmem:s8+$0x0]  }
0x11b: {  	v4 =	vld [tilespmem:s8+$0xFFFFFEA0]  }
0x11c: {  	v5 =	vld [tilespmem:s8+$0xFFFFFEB0]  }
0x11d: {  	v6 =	vld [tilespmem:s8+$0xFFFFFEC0]  }
0x11e: {  	v7 =	vld [tilespmem:s8+$0xFFFFFED0]  }
0x11f: {  	v8 =	vld [tilespmem:s8+$0xFFFFFEE0]  }
0x120: {  	v9 =	vld [tilespmem:s8+$0xFFFFFEF0]  }
0x121: {  	v10 =	vld [tilespmem:s8+$0xFFFFFFA0]  }
0x122: {  	v11 =	vld [tilespmem:s8+$0xFFFFFFB0]  }
0x123: {  	v12 =	vld [tilespmem:s8+$0xFFFFFFC0]  }
0x124: {  	v13 =	vld [tilespmem:s8+$0xFFFFFFD0]  }
0x125: {  	v14 =	vld [tilespmem:s8+$0xFFFFFFE0]  }
0x126: {  	v15 =	vld [tilespmem:s8+$0xFFFFFFF0]  }
0x127: {  	v16 =	vld [tilespmem:s8+$0xFFFFFE90]  }
0x128: {  	v17 =	vld [tilespmem:s12+$0xFFFFFE90]  }
0x129: {  	v18 =	vld [tilespmem:s12+$0xFFFFFEA0]  }
0x12a: {  	v19 =	vld [tilespmem:s12+$0xFFFFFEB0]  }
0x12b: {  	v20 =	vld [tilespmem:s12+$0xFFFFFEC0]  }
0x12c: {  	v21 =	vld [tilespmem:s12+$0xFFFFFED0]  }
0x12d: {  	v22 =	vld [tilespmem:s12+$0xFFFFFEE0]  }
0x12e: {  	v23 =	vld [tilespmem:s12+$0xFFFFFEF0]  }
0x12f: {  	v24 =	vld [tilespmem:s12+$0xFFFFFF00]  }
0x130: {  	v25 =	vld [tilespmem:s12+$0xFFFFFF90]  }
0x131: {  	v26 =	vld [tilespmem:s12+$0xFFFFFFA0]  }
0x132: {  	v27 =	vld [tilespmem:s12+$0xFFFFFFB0]  }
0x133: {  	v28 =	vld [tilespmem:s12+$0xFFFFFFC0]  }
0x134: {  	v29 =	vld [tilespmem:s12+$0xFFFFFFD0]  }
0x135: {  	v30 =	vld [tilespmem:s12+$0xFFFFFFE0];
	v3 =	vmul.f32 v3, v1  }
0x136: {  	v31 =	vld [tilespmem:s12+$0xFFFFFFF0]  }
0x137: {  	[tilespmem:v2+s0+$0x0] =	vst.idx.add.f32.msk $0xffff, v3  }
0x138: {  	v16 =	vmul.f32 v16, v1;
	v2 =	vld [tilespmem:s8+$0xFFFFFF00]  }
0x139: {  	v4 =	vmul.f32 v4, v1;
	v3 =	vld [tilespmem:s8+$0xFFFFFF90]  }
0x13a: {  	v5 =	vmul.f32 v5, v1;
	[tilespmem:v17+s0+$0x0] =	vst.idx.add.f32.msk $0xffff, v16  }
0x13b: {  	v6 =	vmul.f32 v6, v1;
	[tilespmem:v18+s0+$0x0] =	vst.idx.add.f32.msk $0xffff, v4  }
0x13c: {  	v59 =	vmul.f32 v7, v1;
	[tilespmem:v19+s0+$0x0] =	vst.idx.add.f32.msk $0xffff, v5  }
0x13d: {  	v60 =	vmul.f32 v8, v1;
	[tilespmem:v20+s0+$0x0] =	vst.idx.add.f32.msk $0xffff, v6  }
0x13e: {  	v61 =	vmul.f32 v9, v1;
	[tilespmem:v21+s0+$0x0] =	vst.idx.add.f32.msk $0xffff, v59  }
0x13f: {  	v62 =	vmul.f32 v10, v1;
	[tilespmem:v22+s0+$0x0] =	vst.idx.add.f32.msk $0xffff, v60  }
0x140: {  	v63 =	vmul.f32 v13, v1;
	[tilespmem:v23+s0+$0x0] =	vst.idx.add.f32.msk $0xffff, v61  }
0x141: {  	[tilespmem:v26+s0+$0x0] =	vst.idx.add.f32.msk $0xffff, v62;
	v2 =	vmul.f32 v2, v1  }
0x142: {  	[tilespmem:v29+s0+$0x0] =	vst.idx.add.f32.msk $0xffff, v63;
	v3 =	vmul.f32 v3, v1  }
0x143: {  	[tilespmem:v24+s0+$0x0] =	vst.idx.add.f32.msk $0xffff, v2;
	v2 =	vmul.f32 v11, v1  }
0x144: {  	[tilespmem:v25+s0+$0x0] =	vst.idx.add.f32.msk $0xffff, v3;
	v3 =	vmul.f32 v12, v1  }
0x145: {  	[tilespmem:v27+s0+$0x0] =	vst.idx.add.f32.msk $0xffff, v2;
	v2 =	vmul.f32 v14, v1  }
0x146: {  	[tilespmem:v28+s0+$0x0] =	vst.idx.add.f32.msk $0xffff, v3;
	v3 =	vmul.f32 v15, v1  }
0x147: {  	[tilespmem:v30+s0+$0x0] =	vst.idx.add.f32.msk $0xffff, v2  }
0x148: {  	s9 =	simm.s32 $0x0;
	s10 =	simm.s32 $0xA470;
	[tilespmem:v31+s0+$0x0] =	vst.idx.add.f32.msk $0xffff, v3  }
.LBB2_9:
0x149: {  	v2 =	vld [tilespmem:s10+$0x0];
	s9 =	sadd.s32 $0x10, s9;
	s8 =	sadd.s32 $0x200, s8  }
0x14a: {  	v3 =	vld [tilespmem:s8+$0x0];
	p1 =	slt.u32 s9, $0xF0  }
0x14b: {  	v4 =	vld [tilespmem:s8+$0xFFFFFEA0]  }
0x14c: {  	v5 =	vld [tilespmem:s8+$0xFFFFFEB0]  }
0x14d: {  	v6 =	vld [tilespmem:s8+$0xFFFFFEC0]  }
0x14e: {  	v7 =	vld [tilespmem:s8+$0xFFFFFED0]  }
0x14f: {  	v8 =	vld [tilespmem:s8+$0xFFFFFEE0];
	v3 =	vmul.f32 v3, v1  }
0x150: {  	v4 =	vmul.f32 v4, v1;
	v9 =	vld [tilespmem:s8+$0xFFFFFEF0]  }
0x151: {  	v5 =	vmul.f32 v5, v1;
	[tilespmem:v2+s0+$0x0] =	vst.idx.add.f32.msk $0xffff, v3  }
0x152: {  	v2 =	vmul.f32 v6, v1;
	v3 =	vld [tilespmem:s8+$0xFFFFFF00]  }
0x153: {  	v6 =	vmul.f32 v7, v1;
	v7 =	vld [tilespmem:s8+$0xFFFFFF90]  }
0x154: {  	v8 =	vmul.f32 v8, v1;
	v10 =	vld [tilespmem:s8+$0xFFFFFFA0]  }
0x155: {  	v9 =	vmul.f32 v9, v1;
	v11 =	vld [tilespmem:s8+$0xFFFFFFB0]  }
0x156: {  	v12 =	vld [tilespmem:s8+$0xFFFFFFC0]  }
0x157: {  	v3 =	vmul.f32 v3, v1;
	v13 =	vld [tilespmem:s8+$0xFFFFFFD0]  }
0x158: {  	v7 =	vmul.f32 v7, v1;
	v14 =	vld [tilespmem:s8+$0xFFFFFFE0]  }
0x159: {  	v10 =	vmul.f32 v10, v1;
	v15 =	vld [tilespmem:s8+$0xFFFFFFF0]  }
0x15a: {  	v16 =	vld [tilespmem:s8+$0xFFFFFE90];
	v11 =	vmul.f32 v11, v1  }
0x15b: {  	v17 =	vld [tilespmem:s10+$0xFFFFFE90];
	v12 =	vmul.f32 v12, v1  }
0x15c: {  	v18 =	vld [tilespmem:s10+$0xFFFFFEA0];
	v13 =	vmul.f32 v13, v1  }
0x15d: {  	v19 =	vld [tilespmem:s10+$0xFFFFFEB0];
	v14 =	vmul.f32 v14, v1  }
0x15e: {  	v20 =	vld [tilespmem:s10+$0xFFFFFEC0];
	v15 =	vmul.f32 v15, v1  }
0x15f: {  	v16 =	vmul.f32 v16, v1;
	v21 =	vld [tilespmem:s10+$0xFFFFFED0]  }
0x160: {  	v22 =	vld [tilespmem:s10+$0xFFFFFEE0]  }
0x161: {  	v23 =	vld [tilespmem:s10+$0xFFFFFEF0]  }
0x162: {  	v24 =	vld [tilespmem:s10+$0xFFFFFF00]  }
0x163: {  	v25 =	vld [tilespmem:s10+$0xFFFFFF90]  }
0x164: {  	v26 =	vld [tilespmem:s10+$0xFFFFFFA0]  }
0x165: {  	v27 =	vld [tilespmem:s10+$0xFFFFFFB0]  }
0x166: {  	v28 =	vld [tilespmem:s10+$0xFFFFFFC0]  }
0x167: {  	v29 =	vld [tilespmem:s10+$0xFFFFFFD0]  }
0x168: {  	v30 =	vld [tilespmem:s10+$0xFFFFFFE0]  }
0x169: {  	v31 =	vld [tilespmem:s10+$0xFFFFFFF0]  }
0x16a: {  	[tilespmem:v17+s0+$0x0] =	vst.idx.add.f32.msk $0xffff, v16  }
0x16b: {  	[tilespmem:v18+s0+$0x0] =	vst.idx.add.f32.msk $0xffff, v4  }
0x16c: {  	[tilespmem:v19+s0+$0x0] =	vst.idx.add.f32.msk $0xffff, v5  }
0x16d: {  	[tilespmem:v20+s0+$0x0] =	vst.idx.add.f32.msk $0xffff, v2  }
0x16e: {  	[tilespmem:v21+s0+$0x0] =	vst.idx.add.f32.msk $0xffff, v6  }
0x16f: {  	[tilespmem:v22+s0+$0x0] =	vst.idx.add.f32.msk $0xffff, v8  }
0x170: {  	[tilespmem:v23+s0+$0x0] =	vst.idx.add.f32.msk $0xffff, v9  }
0x171: {  	[tilespmem:v24+s0+$0x0] =	vst.idx.add.f32.msk $0xffff, v3  }
0x172: {  	[tilespmem:v25+s0+$0x0] =	vst.idx.add.f32.msk $0xffff, v7  }
0x173: {  	[tilespmem:v26+s0+$0x0] =	vst.idx.add.f32.msk $0xffff, v10  }
.Ltmp5:
0x174: {  	[tilespmem:v27+s0+$0x0] =	vst.idx.add.f32.msk $0xffff, v11;
	(pc) =	sbr.rel @p1 .LBB2_9-.Ltmp5, $4  }
0x175: {  	[tilespmem:v28+s0+$0x0] =	vst.idx.add.f32.msk $0xffff, v12  }
0x176: {  	[tilespmem:v29+s0+$0x0] =	vst.idx.add.f32.msk $0xffff, v13  }
0x177: {  	[tilespmem:v30+s0+$0x0] =	vst.idx.add.f32.msk $0xffff, v14  }
0x178: {  	s10 =	sadd.s32 $0x200, s10;
	[tilespmem:v31+s0+$0x0] =	vst.idx.add.f32.msk $0xffff, v15  }
0x179: {  	v1 =	vld.msk [tilespmem:s6+$0x3 ss:$0x0], $0xffff;
	s9 =	simm.s32 $0xA2F0  }
0x17a: {  	s8 =	simm.s32 $0x22F0;
	v2 =	vld [tilespmem:s9+$0x0]  }
0x17b: {  	v3 =	vld [tilespmem:s8+$0x0]  }
0x17c: {  	v4 =	vld [tilespmem:s8+$0xFFFFFEA0]  }
0x17d: {  	v5 =	vld [tilespmem:s8+$0xFFFFFEB0]  }
0x17e: {  	v6 =	vld [tilespmem:s8+$0xFFFFFEC0]  }
0x17f: {  	v7 =	vld [tilespmem:s8+$0xFFFFFED0]  }
0x180: {  	v8 =	vld [tilespmem:s8+$0xFFFFFEE0]  }
0x181: {  	v9 =	vld [tilespmem:s8+$0xFFFFFEF0]  }
0x182: {  	v10 =	vld [tilespmem:s8+$0xFFFFFFA0]  }
0x183: {  	v11 =	vld [tilespmem:s8+$0xFFFFFFB0]  }
0x184: {  	v12 =	vld [tilespmem:s8+$0xFFFFFFC0]  }
0x185: {  	v13 =	vld [tilespmem:s8+$0xFFFFFFD0]  }
0x186: {  	v14 =	vld [tilespmem:s8+$0xFFFFFFE0]  }
0x187: {  	v15 =	vld [tilespmem:s8+$0xFFFFFFF0]  }
0x188: {  	v16 =	vld [tilespmem:s8+$0xFFFFFE90]  }
0x189: {  	v17 =	vld [tilespmem:s9+$0xFFFFFE90]  }
0x18a: {  	v18 =	vld [tilespmem:s9+$0xFFFFFEA0]  }
0x18b: {  	v19 =	vld [tilespmem:s9+$0xFFFFFEB0]  }
0x18c: {  	v20 =	vld [tilespmem:s9+$0xFFFFFEC0]  }
0x18d: {  	v21 =	vld [tilespmem:s9+$0xFFFFFED0]  }
0x18e: {  	v22 =	vld [tilespmem:s9+$0xFFFFFEE0]  }
0x18f: {  	v23 =	vld [tilespmem:s9+$0xFFFFFEF0]  }
0x190: {  	v24 =	vld [tilespmem:s9+$0xFFFFFF00]  }
0x191: {  	v25 =	vld [tilespmem:s9+$0xFFFFFF90]  }
0x192: {  	v26 =	vld [tilespmem:s9+$0xFFFFFFA0]  }
0x193: {  	v27 =	vld [tilespmem:s9+$0xFFFFFFB0]  }
0x194: {  	v28 =	vld [tilespmem:s9+$0xFFFFFFC0]  }
0x195: {  	v29 =	vld [tilespmem:s9+$0xFFFFFFD0]  }
0x196: {  	v30 =	vld [tilespmem:s9+$0xFFFFFFE0];
	v3 =	vmul.f32 v3, v1  }
0x197: {  	v31 =	vld [tilespmem:s9+$0xFFFFFFF0]  }
0x198: {  	[tilespmem:v2+s0+$0x0] =	vst.idx.add.f32.msk $0xffff, v3  }
0x199: {  	v16 =	vmul.f32 v16, v1;
	v2 =	vld [tilespmem:s8+$0xFFFFFF00]  }
0x19a: {  	v4 =	vmul.f32 v4, v1;
	v3 =	vld [tilespmem:s8+$0xFFFFFF90]  }
0x19b: {  	v5 =	vmul.f32 v5, v1;
	[tilespmem:v17+s0+$0x0] =	vst.idx.add.f32.msk $0xffff, v16  }
0x19c: {  	v6 =	vmul.f32 v6, v1;
	[tilespmem:v18+s0+$0x0] =	vst.idx.add.f32.msk $0xffff, v4  }
0x19d: {  	v59 =	vmul.f32 v7, v1;
	[tilespmem:v19+s0+$0x0] =	vst.idx.add.f32.msk $0xffff, v5  }
0x19e: {  	v60 =	vmul.f32 v8, v1;
	[tilespmem:v20+s0+$0x0] =	vst.idx.add.f32.msk $0xffff, v6  }
0x19f: {  	v61 =	vmul.f32 v9, v1;
	[tilespmem:v21+s0+$0x0] =	vst.idx.add.f32.msk $0xffff, v59  }
0x1a0: {  	v62 =	vmul.f32 v10, v1;
	[tilespmem:v22+s0+$0x0] =	vst.idx.add.f32.msk $0xffff, v60  }
0x1a1: {  	v63 =	vmul.f32 v13, v1;
	[tilespmem:v23+s0+$0x0] =	vst.idx.add.f32.msk $0xffff, v61  }
0x1a2: {  	[tilespmem:v26+s0+$0x0] =	vst.idx.add.f32.msk $0xffff, v62;
	v2 =	vmul.f32 v2, v1  }
0x1a3: {  	[tilespmem:v29+s0+$0x0] =	vst.idx.add.f32.msk $0xffff, v63;
	v3 =	vmul.f32 v3, v1  }
0x1a4: {  	[tilespmem:v24+s0+$0x0] =	vst.idx.add.f32.msk $0xffff, v2;
	v2 =	vmul.f32 v11, v1  }
0x1a5: {  	[tilespmem:v25+s0+$0x0] =	vst.idx.add.f32.msk $0xffff, v3;
	v3 =	vmul.f32 v12, v1  }
0x1a6: {  	[tilespmem:v27+s0+$0x0] =	vst.idx.add.f32.msk $0xffff, v2;
	v2 =	vmul.f32 v14, v1  }
0x1a7: {  	[tilespmem:v28+s0+$0x0] =	vst.idx.add.f32.msk $0xffff, v3;
	v3 =	vmul.f32 v15, v1  }
0x1a8: {  	[tilespmem:v30+s0+$0x0] =	vst.idx.add.f32.msk $0xffff, v2  }
0x1a9: {  	s10 =	simm.s32 $0xA4F0;
	s9 =	simm.s32 $0x0;
	[tilespmem:v31+s0+$0x0] =	vst.idx.add.f32.msk $0xffff, v3  }
.LBB2_11:
0x1aa: {  	v2 =	vld [tilespmem:s10+$0x0];
	s9 =	sadd.s32 $0x10, s9;
	s8 =	sadd.s32 $0x200, s8  }
0x1ab: {  	v3 =	vld [tilespmem:s8+$0x0];
	p1 =	slt.u32 s9, $0xF0  }
0x1ac: {  	v4 =	vld [tilespmem:s8+$0xFFFFFEA0]  }
0x1ad: {  	v5 =	vld [tilespmem:s8+$0xFFFFFEB0]  }
0x1ae: {  	v6 =	vld [tilespmem:s8+$0xFFFFFEC0]  }
0x1af: {  	v7 =	vld [tilespmem:s8+$0xFFFFFED0]  }
0x1b0: {  	v8 =	vld [tilespmem:s8+$0xFFFFFEE0];
	v3 =	vmul.f32 v3, v1  }
0x1b1: {  	v4 =	vmul.f32 v4, v1;
	v9 =	vld [tilespmem:s8+$0xFFFFFEF0]  }
0x1b2: {  	v5 =	vmul.f32 v5, v1;
	[tilespmem:v2+s0+$0x0] =	vst.idx.add.f32.msk $0xffff, v3  }
0x1b3: {  	v2 =	vmul.f32 v6, v1;
	v3 =	vld [tilespmem:s8+$0xFFFFFF00]  }
0x1b4: {  	v6 =	vmul.f32 v7, v1;
	v7 =	vld [tilespmem:s8+$0xFFFFFF90]  }
0x1b5: {  	v8 =	vmul.f32 v8, v1;
	v10 =	vld [tilespmem:s8+$0xFFFFFFA0]  }
0x1b6: {  	v9 =	vmul.f32 v9, v1;
	v11 =	vld [tilespmem:s8+$0xFFFFFFB0]  }
0x1b7: {  	v12 =	vld [tilespmem:s8+$0xFFFFFFC0]  }
0x1b8: {  	v3 =	vmul.f32 v3, v1;
	v13 =	vld [tilespmem:s8+$0xFFFFFFD0]  }
0x1b9: {  	v7 =	vmul.f32 v7, v1;
	v14 =	vld [tilespmem:s8+$0xFFFFFFE0]  }
0x1ba: {  	v10 =	vmul.f32 v10, v1;
	v15 =	vld [tilespmem:s8+$0xFFFFFFF0]  }
0x1bb: {  	v16 =	vld [tilespmem:s8+$0xFFFFFE90];
	v11 =	vmul.f32 v11, v1  }
0x1bc: {  	v17 =	vld [tilespmem:s10+$0xFFFFFE90];
	v12 =	vmul.f32 v12, v1  }
0x1bd: {  	v18 =	vld [tilespmem:s10+$0xFFFFFEA0];
	v13 =	vmul.f32 v13, v1  }
0x1be: {  	v19 =	vld [tilespmem:s10+$0xFFFFFEB0];
	v14 =	vmul.f32 v14, v1  }
0x1bf: {  	v20 =	vld [tilespmem:s10+$0xFFFFFEC0];
	v15 =	vmul.f32 v15, v1  }
0x1c0: {  	v16 =	vmul.f32 v16, v1;
	v21 =	vld [tilespmem:s10+$0xFFFFFED0]  }
0x1c1: {  	v22 =	vld [tilespmem:s10+$0xFFFFFEE0]  }
0x1c2: {  	v23 =	vld [tilespmem:s10+$0xFFFFFEF0]  }
0x1c3: {  	v24 =	vld [tilespmem:s10+$0xFFFFFF00]  }
0x1c4: {  	v25 =	vld [tilespmem:s10+$0xFFFFFF90]  }
0x1c5: {  	v26 =	vld [tilespmem:s10+$0xFFFFFFA0]  }
0x1c6: {  	v27 =	vld [tilespmem:s10+$0xFFFFFFB0]  }
0x1c7: {  	v28 =	vld [tilespmem:s10+$0xFFFFFFC0]  }
0x1c8: {  	v29 =	vld [tilespmem:s10+$0xFFFFFFD0]  }
0x1c9: {  	v30 =	vld [tilespmem:s10+$0xFFFFFFE0]  }
0x1ca: {  	v31 =	vld [tilespmem:s10+$0xFFFFFFF0]  }
0x1cb: {  	[tilespmem:v17+s0+$0x0] =	vst.idx.add.f32.msk $0xffff, v16  }
0x1cc: {  	[tilespmem:v18+s0+$0x0] =	vst.idx.add.f32.msk $0xffff, v4  }
0x1cd: {  	[tilespmem:v19+s0+$0x0] =	vst.idx.add.f32.msk $0xffff, v5  }
0x1ce: {  	[tilespmem:v20+s0+$0x0] =	vst.idx.add.f32.msk $0xffff, v2  }
0x1cf: {  	[tilespmem:v21+s0+$0x0] =	vst.idx.add.f32.msk $0xffff, v6  }
0x1d0: {  	[tilespmem:v22+s0+$0x0] =	vst.idx.add.f32.msk $0xffff, v8  }
0x1d1: {  	[tilespmem:v23+s0+$0x0] =	vst.idx.add.f32.msk $0xffff, v9  }
0x1d2: {  	[tilespmem:v24+s0+$0x0] =	vst.idx.add.f32.msk $0xffff, v3  }
0x1d3: {  	[tilespmem:v25+s0+$0x0] =	vst.idx.add.f32.msk $0xffff, v7  }
0x1d4: {  	[tilespmem:v26+s0+$0x0] =	vst.idx.add.f32.msk $0xffff, v10  }
.Ltmp6:
0x1d5: {  	[tilespmem:v27+s0+$0x0] =	vst.idx.add.f32.msk $0xffff, v11;
	(pc) =	sbr.rel @p1 .LBB2_11-.Ltmp6, $4  }
0x1d6: {  	[tilespmem:v28+s0+$0x0] =	vst.idx.add.f32.msk $0xffff, v12  }
0x1d7: {  	[tilespmem:v29+s0+$0x0] =	vst.idx.add.f32.msk $0xffff, v13  }
0x1d8: {  	[tilespmem:v30+s0+$0x0] =	vst.idx.add.f32.msk $0xffff, v14  }
0x1d9: {  	s10 =	sadd.s32 $0x200, s10;
	[tilespmem:v31+s0+$0x0] =	vst.idx.add.f32.msk $0xffff, v15  }
0x1da: {  	s8 =	sadd.s32 @!p0 s7, s15;
	s10 =	simm.s32 @!p0 $0x100  }
0x1db: {  	s11 =	simm.s32 @!p0 $0x400;
	s12 =	simm.s32 @!p0 $0x2100;
	s9 =	sadd.s32 @!p0 s1, s8  }
0x1dc: {  	[tilespmem:s12], [sflag:$0x2] =	stream.strided.gather @!p0 [hbm4b:s9+s10], $0x2000, s11, s10, $0x38;
	[tilespmem:$0x14100] =	vst v63  }
0x1dd: {  	s8 =	sadd.s32 @!p0 s2, s8;
	s9 =	simm.s32 @!p0 $0xA100  }
0x1de: {  	[tilespmem:s9], [sflag:$0x6] =	stream.strided.gather @!p0 [hbm4b:s8+s10], $0x2000, s11, s10, $0x38;
	[tilespmem:$0x14100] =	vst v63  }
0x1df: {  	_ =	swait.ge [sflag:s23], $0x2000  }
0x1e0: {  	[sflag:s23] =	ssyncset.done $0x0  }
0x1e1: {  	[sflag:s23] =	ssyncadd.s32 $0xFFFFE000  }
0x1e2: {  	_ =	swait.ge [sflag:s24], $0x2000  }
0x1e3: {  	[sflag:s24] =	ssyncset.done $0x0  }
0x1e4: {  	[sflag:s24] =	ssyncadd.s32 $0xFFFFE000  }
0x1e5: {  	s12 =	simm.s32 $0x0;
	v1 =	vld.msk [tilespmem:s6+$0x4 ss:$0x0], $0xffff  }
0x1e6: {  	v2 =	vld [tilespmem:s12+$0xC270]  }
0x1e7: {  	v3 =	vld [tilespmem:s12+$0x4270]  }
0x1e8: {  	v4 =	vld [tilespmem:s12+$0x4100]  }
0x1e9: {  	v5 =	vld [tilespmem:s12+$0x4110]  }
0x1ea: {  	v6 =	vld [tilespmem:s12+$0x4120]  }
0x1eb: {  	v7 =	vld [tilespmem:s12+$0x4130]  }
0x1ec: {  	v8 =	vld [tilespmem:s12+$0x4140]  }
0x1ed: {  	v9 =	vld [tilespmem:s12+$0x4150]  }
0x1ee: {  	v10 =	vld [tilespmem:s12+$0x4170]  }
0x1ef: {  	v11 =	vld [tilespmem:s12+$0x4200]  }
0x1f0: {  	v12 =	vld [tilespmem:s12+$0x4210]  }
0x1f1: {  	v13 =	vld [tilespmem:s12+$0x4220]  }
0x1f2: {  	v14 =	vld [tilespmem:s12+$0x4230]  }
0x1f3: {  	v15 =	vld [tilespmem:s12+$0x4240]  }
0x1f4: {  	v16 =	vld [tilespmem:s12+$0x4250]  }
0x1f5: {  	v17 =	vld [tilespmem:s12+$0x4260]  }
0x1f6: {  	v18 =	vld [tilespmem:s12+$0xC100]  }
0x1f7: {  	v19 =	vld [tilespmem:s12+$0xC110]  }
0x1f8: {  	v20 =	vld [tilespmem:s12+$0xC120]  }
0x1f9: {  	v21 =	vld [tilespmem:s12+$0xC130]  }
0x1fa: {  	v22 =	vld [tilespmem:s12+$0xC140]  }
0x1fb: {  	v23 =	vld [tilespmem:s12+$0xC150]  }
0x1fc: {  	v24 =	vld [tilespmem:s12+$0xC160]  }
0x1fd: {  	v25 =	vld [tilespmem:s12+$0xC170]  }
0x1fe: {  	v26 =	vld [tilespmem:s12+$0xC200]  }
0x1ff: {  	v27 =	vld [tilespmem:s12+$0xC210]  }
0x200: {  	v28 =	vld [tilespmem:s12+$0xC220]  }
0x201: {  	v29 =	vld [tilespmem:s12+$0xC230]  }
0x202: {  	v30 =	vld [tilespmem:s12+$0xC240];
	v3 =	vmul.f32 v3, v1  }
0x203: {  	v31 =	vld [tilespmem:s12+$0xC250]  }
0x204: {  	[tilespmem:v2+s0+$0x0] =	vst.idx.add.f32.msk $0xffff, v3  }
0x205: {  	v4 =	vmul.f32 v4, v1;
	v3 =	vld [tilespmem:s12+$0x4160]  }
0x206: {  	v5 =	vmul.f32 v5, v1;
	v2 =	vld [tilespmem:s12+$0xC260]  }
0x207: {  	v6 =	vmul.f32 v6, v1;
	[tilespmem:v18+s0+$0x0] =	vst.idx.add.f32.msk $0xffff, v4  }
0x208: {  	v63 =	vmul.f32 v9, v1;
	[tilespmem:v19+s0+$0x0] =	vst.idx.add.f32.msk $0xffff, v5  }
0x209: {  	v4 =	vmul.f32 v7, v1;
	[tilespmem:v20+s0+$0x0] =	vst.idx.add.f32.msk $0xffff, v6  }
0x20a: {  	v5 =	vmul.f32 v8, v1;
	[tilespmem:v23+s0+$0x0] =	vst.idx.add.f32.msk $0xffff, v63  }
0x20b: {  	[tilespmem:v21+s0+$0x0] =	vst.idx.add.f32.msk $0xffff, v4;
	v4 =	vmul.f32 v10, v1  }
0x20c: {  	[tilespmem:v22+s0+$0x0] =	vst.idx.add.f32.msk $0xffff, v5;
	v5 =	vmul.f32 v11, v1  }
0x20d: {  	[tilespmem:v25+s0+$0x0] =	vst.idx.add.f32.msk $0xffff, v4;
	v3 =	vmul.f32 v3, v1  }
0x20e: {  	v4 =	vmul.f32 v13, v1;
	[tilespmem:v26+s0+$0x0] =	vst.idx.add.f32.msk $0xffff, v5  }
0x20f: {  	[tilespmem:v24+s0+$0x0] =	vst.idx.add.f32.msk $0xffff, v3;
	v3 =	vmul.f32 v12, v1  }
0x210: {  	v5 =	vmul.f32 v14, v1;
	[tilespmem:v28+s0+$0x0] =	vst.idx.add.f32.msk $0xffff, v4  }
0x211: {  	[tilespmem:v27+s0+$0x0] =	vst.idx.add.f32.msk $0xffff, v3;
	v3 =	vmul.f32 v15, v1  }
0x212: {  	v4 =	vmul.f32 v16, v1;
	[tilespmem:v29+s0+$0x0] =	vst.idx.add.f32.msk $0xffff, v5  }
0x213: {  	[tilespmem:v30+s0+$0x0] =	vst.idx.add.f32.msk $0xffff, v3;
	v3 =	vmul.f32 v17, v1  }
0x214: {  	s8 =	simm.s32 $0x0;
	s9 =	simm.s32 $0x800;
	[tilespmem:v31+s0+$0x0] =	vst.idx.add.f32.msk $0xffff, v4  }
.LBB2_13:
0x215: {  	s10 =	sshra.s32 s9, $0x2;
	s8 =	sadd.s32 $0x10, s8;
	[tilespmem:v2+s0+$0x0] =	vst.idx.add.f32.msk $0xffff, v3  }
0x216: {  	v2 =	vld [tilespmem:s10+$0xC270];
	p1 =	slt.u32 s8, $0xF0  }
0x217: {  	v3 =	vld [tilespmem:s10+$0x4270]  }
0x218: {  	v4 =	vld [tilespmem:s10+$0x4100]  }
0x219: {  	v5 =	vld [tilespmem:s10+$0x4110]  }
0x21a: {  	v6 =	vld [tilespmem:s10+$0x4120]  }
0x21b: {  	v7 =	vld [tilespmem:s10+$0x4130]  }
0x21c: {  	v8 =	vld [tilespmem:s10+$0x4140];
	v3 =	vmul.f32 v3, v1  }
0x21d: {  	v4 =	vmul.f32 v4, v1;
	v9 =	vld [tilespmem:s10+$0x4150]  }
0x21e: {  	v5 =	vmul.f32 v5, v1;
	[tilespmem:v2+s0+$0x0] =	vst.idx.add.f32.msk $0xffff, v3  }
0x21f: {  	v6 =	vmul.f32 v6, v1;
	v2 =	vld [tilespmem:s10+$0x4160]  }
0x220: {  	v7 =	vmul.f32 v7, v1;
	v3 =	vld [tilespmem:s10+$0x4170]  }
0x221: {  	v8 =	vmul.f32 v8, v1;
	v10 =	vld [tilespmem:s10+$0x4200]  }
0x222: {  	v9 =	vmul.f32 v9, v1;
	v11 =	vld [tilespmem:s10+$0x4210]  }
0x223: {  	v12 =	vld [tilespmem:s10+$0x4220]  }
0x224: {  	v13 =	vmul.f32 v2, v1;
	v2 =	vld [tilespmem:s10+$0x4230]  }
0x225: {  	v14 =	vmul.f32 v3, v1;
	v3 =	vld [tilespmem:s10+$0x4240]  }
0x226: {  	v10 =	vmul.f32 v10, v1;
	v15 =	vld [tilespmem:s10+$0x4250]  }
0x227: {  	v11 =	vmul.f32 v11, v1;
	v16 =	vld [tilespmem:s10+$0x4260]  }
0x228: {  	v17 =	vld [tilespmem:s10+$0xC100];
	v12 =	vmul.f32 v12, v1  }
0x229: {  	v18 =	vld [tilespmem:s10+$0xC110];
	v19 =	vmul.f32 v2, v1  }
0x22a: {  	v20 =	vld [tilespmem:s10+$0xC120];
	v21 =	vmul.f32 v3, v1  }
0x22b: {  	v22 =	vld [tilespmem:s10+$0xC130];
	v15 =	vmul.f32 v15, v1  }
0x22c: {  	v23 =	vld [tilespmem:s10+$0xC140];
	v3 =	vmul.f32 v16, v1  }
0x22d: {  	v16 =	vld [tilespmem:s10+$0xC150]  }
0x22e: {  	v24 =	vld [tilespmem:s10+$0xC160]  }
0x22f: {  	v25 =	vld [tilespmem:s10+$0xC170]  }
0x230: {  	v26 =	vld [tilespmem:s10+$0xC200]  }
0x231: {  	v27 =	vld [tilespmem:s10+$0xC210]  }
0x232: {  	v28 =	vld [tilespmem:s10+$0xC220]  }
0x233: {  	v29 =	vld [tilespmem:s10+$0xC230]  }
0x234: {  	v30 =	vld [tilespmem:s10+$0xC240]  }
0x235: {  	v31 =	vld [tilespmem:s10+$0xC250]  }
0x236: {  	v2 =	vld [tilespmem:s10+$0xC260]  }
0x237: {  	[tilespmem:v17+s0+$0x0] =	vst.idx.add.f32.msk $0xffff, v4  }
0x238: {  	[tilespmem:v18+s0+$0x0] =	vst.idx.add.f32.msk $0xffff, v5  }
0x239: {  	[tilespmem:v20+s0+$0x0] =	vst.idx.add.f32.msk $0xffff, v6  }
0x23a: {  	[tilespmem:v22+s0+$0x0] =	vst.idx.add.f32.msk $0xffff, v7  }
0x23b: {  	[tilespmem:v23+s0+$0x0] =	vst.idx.add.f32.msk $0xffff, v8  }
0x23c: {  	[tilespmem:v16+s0+$0x0] =	vst.idx.add.f32.msk $0xffff, v9  }
0x23d: {  	[tilespmem:v24+s0+$0x0] =	vst.idx.add.f32.msk $0xffff, v13  }
0x23e: {  	[tilespmem:v25+s0+$0x0] =	vst.idx.add.f32.msk $0xffff, v14  }
0x23f: {  	[tilespmem:v26+s0+$0x0] =	vst.idx.add.f32.msk $0xffff, v10  }
.Ltmp7:
0x240: {  	[tilespmem:v27+s0+$0x0] =	vst.idx.add.f32.msk $0xffff, v11;
	(pc) =	sbr.rel @p1 .LBB2_13-.Ltmp7, $4  }
0x241: {  	[tilespmem:v28+s0+$0x0] =	vst.idx.add.f32.msk $0xffff, v12  }
0x242: {  	[tilespmem:v29+s0+$0x0] =	vst.idx.add.f32.msk $0xffff, v19  }
0x243: {  	[tilespmem:v30+s0+$0x0] =	vst.idx.add.f32.msk $0xffff, v21  }
0x244: {  	s9 =	sadd.s32 $0x800, s9;
	[tilespmem:v31+s0+$0x0] =	vst.idx.add.f32.msk $0xffff, v15  }
0x245: {  	_ =	sdelay $0x3  }
0x246: {  	[tilespmem:v2+s0+$0x0] =	vst.idx.add.f32.msk $0xffff, v3  }
0x247: {  	s8 =	simm.s32 $0x0;
	v1 =	vld.msk [tilespmem:s6+$0x5 ss:$0x0], $0xffff  }
0x248: {  	v2 =	vld [tilespmem:s8+$0xC2F0]  }
0x249: {  	v3 =	vld [tilespmem:s8+$0x42F0]  }
0x24a: {  	v4 =	vld [tilespmem:s8+$0x4180]  }
0x24b: {  	v5 =	vld [tilespmem:s8+$0x4190]  }
0x24c: {  	v6 =	vld [tilespmem:s8+$0x41A0]  }
0x24d: {  	v7 =	vld [tilespmem:s8+$0x41B0]  }
0x24e: {  	v8 =	vld [tilespmem:s8+$0x41C0]  }
0x24f: {  	v9 =	vld [tilespmem:s8+$0x41D0]  }
0x250: {  	v10 =	vld [tilespmem:s8+$0x41F0]  }
0x251: {  	v11 =	vld [tilespmem:s8+$0x4280]  }
0x252: {  	v12 =	vld [tilespmem:s8+$0x4290]  }
0x253: {  	v13 =	vld [tilespmem:s8+$0x42A0]  }
0x254: {  	v14 =	vld [tilespmem:s8+$0x42B0]  }
0x255: {  	v15 =	vld [tilespmem:s8+$0x42C0]  }
0x256: {  	v16 =	vld [tilespmem:s8+$0x42D0]  }
0x257: {  	v17 =	vld [tilespmem:s8+$0x42E0]  }
0x258: {  	v18 =	vld [tilespmem:s8+$0xC180]  }
0x259: {  	v19 =	vld [tilespmem:s8+$0xC190]  }
0x25a: {  	v20 =	vld [tilespmem:s8+$0xC1A0]  }
0x25b: {  	v21 =	vld [tilespmem:s8+$0xC1B0]  }
0x25c: {  	v22 =	vld [tilespmem:s8+$0xC1C0]  }
0x25d: {  	v23 =	vld [tilespmem:s8+$0xC1D0]  }
0x25e: {  	v24 =	vld [tilespmem:s8+$0xC1E0]  }
0x25f: {  	v25 =	vld [tilespmem:s8+$0xC1F0]  }
0x260: {  	v26 =	vld [tilespmem:s8+$0xC280]  }
0x261: {  	v27 =	vld [tilespmem:s8+$0xC290]  }
0x262: {  	v28 =	vld [tilespmem:s8+$0xC2A0]  }
0x263: {  	v29 =	vld [tilespmem:s8+$0xC2B0]  }
0x264: {  	v30 =	vld [tilespmem:s8+$0xC2C0];
	v3 =	vmul.f32 v3, v1  }
0x265: {  	v31 =	vld [tilespmem:s8+$0xC2D0]  }
0x266: {  	[tilespmem:v2+s0+$0x0] =	vst.idx.add.f32.msk $0xffff, v3  }
0x267: {  	v4 =	vmul.f32 v4, v1;
	v3 =	vld [tilespmem:s8+$0x41E0]  }
0x268: {  	v5 =	vmul.f32 v5, v1;
	v2 =	vld [tilespmem:s8+$0xC2E0]  }
0x269: {  	v6 =	vmul.f32 v6, v1;
	[tilespmem:v18+s0+$0x0] =	vst.idx.add.f32.msk $0xffff, v4  }
0x26a: {  	v63 =	vmul.f32 v9, v1;
	[tilespmem:v19+s0+$0x0] =	vst.idx.add.f32.msk $0xffff, v5  }
0x26b: {  	v4 =	vmul.f32 v7, v1;
	[tilespmem:v20+s0+$0x0] =	vst.idx.add.f32.msk $0xffff, v6  }
0x26c: {  	v5 =	vmul.f32 v8, v1;
	[tilespmem:v23+s0+$0x0] =	vst.idx.add.f32.msk $0xffff, v63  }
0x26d: {  	[tilespmem:v21+s0+$0x0] =	vst.idx.add.f32.msk $0xffff, v4;
	v4 =	vmul.f32 v10, v1  }
0x26e: {  	[tilespmem:v22+s0+$0x0] =	vst.idx.add.f32.msk $0xffff, v5;
	v5 =	vmul.f32 v11, v1  }
0x26f: {  	[tilespmem:v25+s0+$0x0] =	vst.idx.add.f32.msk $0xffff, v4;
	v3 =	vmul.f32 v3, v1  }
0x270: {  	v4 =	vmul.f32 v13, v1;
	[tilespmem:v26+s0+$0x0] =	vst.idx.add.f32.msk $0xffff, v5  }
0x271: {  	[tilespmem:v24+s0+$0x0] =	vst.idx.add.f32.msk $0xffff, v3;
	v3 =	vmul.f32 v12, v1  }
0x272: {  	v5 =	vmul.f32 v14, v1;
	[tilespmem:v28+s0+$0x0] =	vst.idx.add.f32.msk $0xffff, v4  }
0x273: {  	[tilespmem:v27+s0+$0x0] =	vst.idx.add.f32.msk $0xffff, v3;
	v3 =	vmul.f32 v15, v1  }
0x274: {  	v4 =	vmul.f32 v16, v1;
	[tilespmem:v29+s0+$0x0] =	vst.idx.add.f32.msk $0xffff, v5  }
0x275: {  	[tilespmem:v30+s0+$0x0] =	vst.idx.add.f32.msk $0xffff, v3;
	v3 =	vmul.f32 v17, v1  }
0x276: {  	s9 =	simm.s32 $0x800;
	s8 =	simm.s32 $0x0;
	[tilespmem:v31+s0+$0x0] =	vst.idx.add.f32.msk $0xffff, v4  }
.LBB2_15:
0x277: {  	s10 =	sshra.s32 s9, $0x2;
	s8 =	sadd.s32 $0x10, s8;
	[tilespmem:v2+s0+$0x0] =	vst.idx.add.f32.msk $0xffff, v3  }
0x278: {  	v2 =	vld [tilespmem:s10+$0xC2F0];
	p1 =	slt.u32 s8, $0xF0  }
0x279: {  	v3 =	vld [tilespmem:s10+$0x42F0]  }
0x27a: {  	v4 =	vld [tilespmem:s10+$0x4180]  }
0x27b: {  	v5 =	vld [tilespmem:s10+$0x4190]  }
0x27c: {  	v6 =	vld [tilespmem:s10+$0x41A0]  }
0x27d: {  	v7 =	vld [tilespmem:s10+$0x41B0]  }
0x27e: {  	v8 =	vld [tilespmem:s10+$0x41C0];
	v3 =	vmul.f32 v3, v1  }
0x27f: {  	v4 =	vmul.f32 v4, v1;
	v9 =	vld [tilespmem:s10+$0x41D0]  }
0x280: {  	v5 =	vmul.f32 v5, v1;
	[tilespmem:v2+s0+$0x0] =	vst.idx.add.f32.msk $0xffff, v3  }
0x281: {  	v6 =	vmul.f32 v6, v1;
	v2 =	vld [tilespmem:s10+$0x41E0]  }
0x282: {  	v7 =	vmul.f32 v7, v1;
	v3 =	vld [tilespmem:s10+$0x41F0]  }
0x283: {  	v8 =	vmul.f32 v8, v1;
	v10 =	vld [tilespmem:s10+$0x4280]  }
0x284: {  	v9 =	vmul.f32 v9, v1;
	v11 =	vld [tilespmem:s10+$0x4290]  }
0x285: {  	v12 =	vld [tilespmem:s10+$0x42A0]  }
0x286: {  	v13 =	vmul.f32 v2, v1;
	v2 =	vld [tilespmem:s10+$0x42B0]  }
0x287: {  	v14 =	vmul.f32 v3, v1;
	v3 =	vld [tilespmem:s10+$0x42C0]  }
0x288: {  	v10 =	vmul.f32 v10, v1;
	v15 =	vld [tilespmem:s10+$0x42D0]  }
0x289: {  	v11 =	vmul.f32 v11, v1;
	v16 =	vld [tilespmem:s10+$0x42E0]  }
0x28a: {  	v17 =	vld [tilespmem:s10+$0xC180];
	v12 =	vmul.f32 v12, v1  }
0x28b: {  	v18 =	vld [tilespmem:s10+$0xC190];
	v19 =	vmul.f32 v2, v1  }
0x28c: {  	v20 =	vld [tilespmem:s10+$0xC1A0];
	v21 =	vmul.f32 v3, v1  }
0x28d: {  	v22 =	vld [tilespmem:s10+$0xC1B0];
	v15 =	vmul.f32 v15, v1  }
0x28e: {  	v23 =	vld [tilespmem:s10+$0xC1C0];
	v3 =	vmul.f32 v16, v1  }
0x28f: {  	v16 =	vld [tilespmem:s10+$0xC1D0]  }
0x290: {  	v24 =	vld [tilespmem:s10+$0xC1E0]  }
0x291: {  	v25 =	vld [tilespmem:s10+$0xC1F0]  }
0x292: {  	v26 =	vld [tilespmem:s10+$0xC280]  }
0x293: {  	v27 =	vld [tilespmem:s10+$0xC290]  }
0x294: {  	v28 =	vld [tilespmem:s10+$0xC2A0]  }
0x295: {  	v29 =	vld [tilespmem:s10+$0xC2B0]  }
0x296: {  	v30 =	vld [tilespmem:s10+$0xC2C0]  }
0x297: {  	v31 =	vld [tilespmem:s10+$0xC2D0]  }
0x298: {  	v2 =	vld [tilespmem:s10+$0xC2E0]  }
0x299: {  	[tilespmem:v17+s0+$0x0] =	vst.idx.add.f32.msk $0xffff, v4  }
0x29a: {  	[tilespmem:v18+s0+$0x0] =	vst.idx.add.f32.msk $0xffff, v5  }
0x29b: {  	[tilespmem:v20+s0+$0x0] =	vst.idx.add.f32.msk $0xffff, v6  }
0x29c: {  	[tilespmem:v22+s0+$0x0] =	vst.idx.add.f32.msk $0xffff, v7  }
0x29d: {  	[tilespmem:v23+s0+$0x0] =	vst.idx.add.f32.msk $0xffff, v8  }
0x29e: {  	[tilespmem:v16+s0+$0x0] =	vst.idx.add.f32.msk $0xffff, v9  }
0x29f: {  	[tilespmem:v24+s0+$0x0] =	vst.idx.add.f32.msk $0xffff, v13  }
0x2a0: {  	[tilespmem:v25+s0+$0x0] =	vst.idx.add.f32.msk $0xffff, v14  }
0x2a1: {  	[tilespmem:v26+s0+$0x0] =	vst.idx.add.f32.msk $0xffff, v10  }
.Ltmp8:
0x2a2: {  	[tilespmem:v27+s0+$0x0] =	vst.idx.add.f32.msk $0xffff, v11;
	(pc) =	sbr.rel @p1 .LBB2_15-.Ltmp8, $4  }
0x2a3: {  	[tilespmem:v28+s0+$0x0] =	vst.idx.add.f32.msk $0xffff, v12  }
0x2a4: {  	[tilespmem:v29+s0+$0x0] =	vst.idx.add.f32.msk $0xffff, v19  }
0x2a5: {  	[tilespmem:v30+s0+$0x0] =	vst.idx.add.f32.msk $0xffff, v21  }
0x2a6: {  	s9 =	sadd.s32 $0x800, s9;
	[tilespmem:v31+s0+$0x0] =	vst.idx.add.f32.msk $0xffff, v15  }
0x2a7: {  	_ =	sdelay $0x2  }
0x2a8: {  	s8 =	sadd.s32 @!p0 s7, s16;
	s10 =	simm.s32 @!p0 $0x100  }
0x2a9: {  	[tilespmem:v2+s0+$0x0] =	vst.idx.add.f32.msk $0xffff, v3;
	s11 =	simm.s32 @!p0 $0x400;
	s12 =	simm.s32 @!p0 $0x4100;
	s9 =	sadd.s32 @!p0 s1, s8  }
0x2aa: {  	[tilespmem:s12], [sflag:$0x3] =	stream.strided.gather @!p0 [hbm4b:s9+s10], $0x2000, s11, s10, $0x38;
	[tilespmem:$0x14100] =	vst v63  }
0x2ab: {  	s8 =	sadd.s32 @!p0 s2, s8;
	s9 =	simm.s32 @!p0 $0xC100  }
0x2ac: {  	[tilespmem:s9], [sflag:$0x7] =	stream.strided.gather @!p0 [hbm4b:s8+s10], $0x2000, s11, s10, $0x38;
	[tilespmem:$0x14100] =	vst v63  }
0x2ad: {  	_ =	swait.ge [sflag:s25], $0x2000  }
0x2ae: {  	[sflag:s25] =	ssyncset.done $0x0  }
0x2af: {  	[sflag:s25] =	ssyncadd.s32 $0xFFFFE000  }
0x2b0: {  	_ =	swait.ge [sflag:s26], $0x2000  }
0x2b1: {  	[sflag:s26] =	ssyncset.done $0x0  }
0x2b2: {  	[sflag:s26] =	ssyncadd.s32 $0xFFFFE000  }
0x2b3: {  	s12 =	simm.s32 $0x0;
	v1 =	vld.msk [tilespmem:s6+$0x6 ss:$0x0], $0xffff  }
0x2b4: {  	v2 =	vld [tilespmem:s12+$0xE270]  }
0x2b5: {  	v3 =	vld [tilespmem:s12+$0x6270]  }
0x2b6: {  	v4 =	vld [tilespmem:s12+$0x6100]  }
0x2b7: {  	v5 =	vld [tilespmem:s12+$0x6110]  }
0x2b8: {  	v6 =	vld [tilespmem:s12+$0x6120]  }
0x2b9: {  	v7 =	vld [tilespmem:s12+$0x6130]  }
0x2ba: {  	v8 =	vld [tilespmem:s12+$0x6140]  }
0x2bb: {  	v9 =	vld [tilespmem:s12+$0x6150]  }
0x2bc: {  	v10 =	vld [tilespmem:s12+$0x6170]  }
0x2bd: {  	v11 =	vld [tilespmem:s12+$0x6200]  }
0x2be: {  	v12 =	vld [tilespmem:s12+$0x6210]  }
0x2bf: {  	v13 =	vld [tilespmem:s12+$0x6220]  }
0x2c0: {  	v14 =	vld [tilespmem:s12+$0x6230]  }
0x2c1: {  	v15 =	vld [tilespmem:s12+$0x6240]  }
0x2c2: {  	v16 =	vld [tilespmem:s12+$0x6250]  }
0x2c3: {  	v17 =	vld [tilespmem:s12+$0x6260]  }
0x2c4: {  	v18 =	vld [tilespmem:s12+$0xE100]  }
0x2c5: {  	v19 =	vld [tilespmem:s12+$0xE110]  }
0x2c6: {  	v20 =	vld [tilespmem:s12+$0xE120]  }
0x2c7: {  	v21 =	vld [tilespmem:s12+$0xE130]  }
0x2c8: {  	v22 =	vld [tilespmem:s12+$0xE140]  }
0x2c9: {  	v23 =	vld [tilespmem:s12+$0xE150]  }
0x2ca: {  	v24 =	vld [tilespmem:s12+$0xE160]  }
0x2cb: {  	v25 =	vld [tilespmem:s12+$0xE170]  }
0x2cc: {  	v26 =	vld [tilespmem:s12+$0xE200]  }
0x2cd: {  	v27 =	vld [tilespmem:s12+$0xE210]  }
0x2ce: {  	v28 =	vld [tilespmem:s12+$0xE220]  }
0x2cf: {  	v29 =	vld [tilespmem:s12+$0xE230]  }
0x2d0: {  	v30 =	vld [tilespmem:s12+$0xE240];
	v3 =	vmul.f32 v3, v1  }
0x2d1: {  	v31 =	vld [tilespmem:s12+$0xE250]  }
0x2d2: {  	[tilespmem:v2+s0+$0x0] =	vst.idx.add.f32.msk $0xffff, v3  }
0x2d3: {  	v4 =	vmul.f32 v4, v1;
	v3 =	vld [tilespmem:s12+$0x6160]  }
0x2d4: {  	v5 =	vmul.f32 v5, v1;
	v2 =	vld [tilespmem:s12+$0xE260]  }
0x2d5: {  	v6 =	vmul.f32 v6, v1;
	[tilespmem:v18+s0+$0x0] =	vst.idx.add.f32.msk $0xffff, v4  }
0x2d6: {  	v63 =	vmul.f32 v9, v1;
	[tilespmem:v19+s0+$0x0] =	vst.idx.add.f32.msk $0xffff, v5  }
0x2d7: {  	v4 =	vmul.f32 v7, v1;
	[tilespmem:v20+s0+$0x0] =	vst.idx.add.f32.msk $0xffff, v6  }
0x2d8: {  	v5 =	vmul.f32 v8, v1;
	[tilespmem:v23+s0+$0x0] =	vst.idx.add.f32.msk $0xffff, v63  }
0x2d9: {  	[tilespmem:v21+s0+$0x0] =	vst.idx.add.f32.msk $0xffff, v4;
	v4 =	vmul.f32 v10, v1  }
0x2da: {  	[tilespmem:v22+s0+$0x0] =	vst.idx.add.f32.msk $0xffff, v5;
	v5 =	vmul.f32 v11, v1  }
0x2db: {  	[tilespmem:v25+s0+$0x0] =	vst.idx.add.f32.msk $0xffff, v4;
	v3 =	vmul.f32 v3, v1  }
0x2dc: {  	v4 =	vmul.f32 v13, v1;
	[tilespmem:v26+s0+$0x0] =	vst.idx.add.f32.msk $0xffff, v5  }
0x2dd: {  	[tilespmem:v24+s0+$0x0] =	vst.idx.add.f32.msk $0xffff, v3;
	v3 =	vmul.f32 v12, v1  }
0x2de: {  	v5 =	vmul.f32 v14, v1;
	[tilespmem:v28+s0+$0x0] =	vst.idx.add.f32.msk $0xffff, v4  }
0x2df: {  	[tilespmem:v27+s0+$0x0] =	vst.idx.add.f32.msk $0xffff, v3;
	v3 =	vmul.f32 v15, v1  }
0x2e0: {  	v4 =	vmul.f32 v16, v1;
	[tilespmem:v29+s0+$0x0] =	vst.idx.add.f32.msk $0xffff, v5  }
0x2e1: {  	[tilespmem:v30+s0+$0x0] =	vst.idx.add.f32.msk $0xffff, v3;
	v3 =	vmul.f32 v17, v1  }
0x2e2: {  	s8 =	simm.s32 $0x0;
	s9 =	simm.s32 $0x800;
	[tilespmem:v31+s0+$0x0] =	vst.idx.add.f32.msk $0xffff, v4  }
.LBB2_17:
0x2e3: {  	s10 =	sshra.s32 s9, $0x2;
	s8 =	sadd.s32 $0x10, s8;
	[tilespmem:v2+s0+$0x0] =	vst.idx.add.f32.msk $0xffff, v3  }
0x2e4: {  	v2 =	vld [tilespmem:s10+$0xE270];
	p1 =	slt.u32 s8, $0xF0  }
0x2e5: {  	v3 =	vld [tilespmem:s10+$0x6270]  }
0x2e6: {  	v4 =	vld [tilespmem:s10+$0x6100]  }
0x2e7: {  	v5 =	vld [tilespmem:s10+$0x6110]  }
0x2e8: {  	v6 =	vld [tilespmem:s10+$0x6120]  }
0x2e9: {  	v7 =	vld [tilespmem:s10+$0x6130]  }
0x2ea: {  	v8 =	vld [tilespmem:s10+$0x6140];
	v3 =	vmul.f32 v3, v1  }
0x2eb: {  	v4 =	vmul.f32 v4, v1;
	v9 =	vld [tilespmem:s10+$0x6150]  }
0x2ec: {  	v5 =	vmul.f32 v5, v1;
	[tilespmem:v2+s0+$0x0] =	vst.idx.add.f32.msk $0xffff, v3  }
0x2ed: {  	v6 =	vmul.f32 v6, v1;
	v2 =	vld [tilespmem:s10+$0x6160]  }
0x2ee: {  	v7 =	vmul.f32 v7, v1;
	v3 =	vld [tilespmem:s10+$0x6170]  }
0x2ef: {  	v8 =	vmul.f32 v8, v1;
	v10 =	vld [tilespmem:s10+$0x6200]  }
0x2f0: {  	v9 =	vmul.f32 v9, v1;
	v11 =	vld [tilespmem:s10+$0x6210]  }
0x2f1: {  	v12 =	vld [tilespmem:s10+$0x6220]  }
0x2f2: {  	v13 =	vmul.f32 v2, v1;
	v2 =	vld [tilespmem:s10+$0x6230]  }
0x2f3: {  	v14 =	vmul.f32 v3, v1;
	v3 =	vld [tilespmem:s10+$0x6240]  }
0x2f4: {  	v10 =	vmul.f32 v10, v1;
	v15 =	vld [tilespmem:s10+$0x6250]  }
0x2f5: {  	v11 =	vmul.f32 v11, v1;
	v16 =	vld [tilespmem:s10+$0x6260]  }
0x2f6: {  	v17 =	vld [tilespmem:s10+$0xE100];
	v12 =	vmul.f32 v12, v1  }
0x2f7: {  	v18 =	vld [tilespmem:s10+$0xE110];
	v19 =	vmul.f32 v2, v1  }
0x2f8: {  	v20 =	vld [tilespmem:s10+$0xE120];
	v21 =	vmul.f32 v3, v1  }
0x2f9: {  	v22 =	vld [tilespmem:s10+$0xE130];
	v15 =	vmul.f32 v15, v1  }
0x2fa: {  	v23 =	vld [tilespmem:s10+$0xE140];
	v3 =	vmul.f32 v16, v1  }
0x2fb: {  	v16 =	vld [tilespmem:s10+$0xE150]  }
0x2fc: {  	v24 =	vld [tilespmem:s10+$0xE160]  }
0x2fd: {  	v25 =	vld [tilespmem:s10+$0xE170]  }
0x2fe: {  	v26 =	vld [tilespmem:s10+$0xE200]  }
0x2ff: {  	v27 =	vld [tilespmem:s10+$0xE210]  }
0x300: {  	v28 =	vld [tilespmem:s10+$0xE220]  }
0x301: {  	v29 =	vld [tilespmem:s10+$0xE230]  }
0x302: {  	v30 =	vld [tilespmem:s10+$0xE240]  }
0x303: {  	v31 =	vld [tilespmem:s10+$0xE250]  }
0x304: {  	v2 =	vld [tilespmem:s10+$0xE260]  }
0x305: {  	[tilespmem:v17+s0+$0x0] =	vst.idx.add.f32.msk $0xffff, v4  }
0x306: {  	[tilespmem:v18+s0+$0x0] =	vst.idx.add.f32.msk $0xffff, v5  }
0x307: {  	[tilespmem:v20+s0+$0x0] =	vst.idx.add.f32.msk $0xffff, v6  }
0x308: {  	[tilespmem:v22+s0+$0x0] =	vst.idx.add.f32.msk $0xffff, v7  }
0x309: {  	[tilespmem:v23+s0+$0x0] =	vst.idx.add.f32.msk $0xffff, v8  }
0x30a: {  	[tilespmem:v16+s0+$0x0] =	vst.idx.add.f32.msk $0xffff, v9  }
0x30b: {  	[tilespmem:v24+s0+$0x0] =	vst.idx.add.f32.msk $0xffff, v13  }
0x30c: {  	[tilespmem:v25+s0+$0x0] =	vst.idx.add.f32.msk $0xffff, v14  }
0x30d: {  	[tilespmem:v26+s0+$0x0] =	vst.idx.add.f32.msk $0xffff, v10  }
.Ltmp9:
0x30e: {  	[tilespmem:v27+s0+$0x0] =	vst.idx.add.f32.msk $0xffff, v11;
	(pc) =	sbr.rel @p1 .LBB2_17-.Ltmp9, $4  }
0x30f: {  	[tilespmem:v28+s0+$0x0] =	vst.idx.add.f32.msk $0xffff, v12  }
0x310: {  	[tilespmem:v29+s0+$0x0] =	vst.idx.add.f32.msk $0xffff, v19  }
0x311: {  	[tilespmem:v30+s0+$0x0] =	vst.idx.add.f32.msk $0xffff, v21  }
0x312: {  	s9 =	sadd.s32 $0x800, s9;
	[tilespmem:v31+s0+$0x0] =	vst.idx.add.f32.msk $0xffff, v15  }
0x313: {  	_ =	sdelay $0x3  }
0x314: {  	[tilespmem:v2+s0+$0x0] =	vst.idx.add.f32.msk $0xffff, v3  }
0x315: {  	s12 =	simm.s32 $0x0;
	v1 =	vld.msk [tilespmem:s6+$0x7 ss:$0x0], $0xffff  }
0x316: {  	v2 =	vld [tilespmem:s12+$0xE2F0]  }
0x317: {  	v3 =	vld [tilespmem:s12+$0x62F0]  }
0x318: {  	v4 =	vld [tilespmem:s12+$0x6180]  }
0x319: {  	v5 =	vld [tilespmem:s12+$0x6190]  }
0x31a: {  	v6 =	vld [tilespmem:s12+$0x61A0]  }
0x31b: {  	v7 =	vld [tilespmem:s12+$0x61B0]  }
0x31c: {  	v8 =	vld [tilespmem:s12+$0x61C0]  }
0x31d: {  	v9 =	vld [tilespmem:s12+$0x61D0]  }
0x31e: {  	v10 =	vld [tilespmem:s12+$0x61F0]  }
0x31f: {  	v11 =	vld [tilespmem:s12+$0x6280]  }
0x320: {  	v12 =	vld [tilespmem:s12+$0x6290]  }
0x321: {  	v13 =	vld [tilespmem:s12+$0x62A0]  }
0x322: {  	v14 =	vld [tilespmem:s12+$0x62B0]  }
0x323: {  	v15 =	vld [tilespmem:s12+$0x62C0]  }
0x324: {  	v16 =	vld [tilespmem:s12+$0x62D0]  }
0x325: {  	v17 =	vld [tilespmem:s12+$0x62E0]  }
0x326: {  	v18 =	vld [tilespmem:s12+$0xE180]  }
0x327: {  	v19 =	vld [tilespmem:s12+$0xE190]  }
0x328: {  	v20 =	vld [tilespmem:s12+$0xE1A0]  }
0x329: {  	v21 =	vld [tilespmem:s12+$0xE1B0]  }
0x32a: {  	v22 =	vld [tilespmem:s12+$0xE1C0]  }
0x32b: {  	v23 =	vld [tilespmem:s12+$0xE1D0]  }
0x32c: {  	v24 =	vld [tilespmem:s12+$0xE1E0]  }
0x32d: {  	v25 =	vld [tilespmem:s12+$0xE1F0]  }
0x32e: {  	v26 =	vld [tilespmem:s12+$0xE280]  }
0x32f: {  	v27 =	vld [tilespmem:s12+$0xE290]  }
0x330: {  	v28 =	vld [tilespmem:s12+$0xE2A0]  }
0x331: {  	v29 =	vld [tilespmem:s12+$0xE2B0]  }
0x332: {  	v30 =	vld [tilespmem:s12+$0xE2C0];
	v3 =	vmul.f32 v3, v1  }
0x333: {  	v31 =	vld [tilespmem:s12+$0xE2D0]  }
0x334: {  	[tilespmem:v2+s0+$0x0] =	vst.idx.add.f32.msk $0xffff, v3  }
0x335: {  	v4 =	vmul.f32 v4, v1;
	v3 =	vld [tilespmem:s12+$0x61E0]  }
0x336: {  	v5 =	vmul.f32 v5, v1;
	v2 =	vld [tilespmem:s12+$0xE2E0]  }
0x337: {  	v6 =	vmul.f32 v6, v1;
	[tilespmem:v18+s0+$0x0] =	vst.idx.add.f32.msk $0xffff, v4  }
0x338: {  	v63 =	vmul.f32 v9, v1;
	[tilespmem:v19+s0+$0x0] =	vst.idx.add.f32.msk $0xffff, v5  }
0x339: {  	v4 =	vmul.f32 v7, v1;
	[tilespmem:v20+s0+$0x0] =	vst.idx.add.f32.msk $0xffff, v6  }
0x33a: {  	v5 =	vmul.f32 v8, v1;
	[tilespmem:v23+s0+$0x0] =	vst.idx.add.f32.msk $0xffff, v63  }
0x33b: {  	[tilespmem:v21+s0+$0x0] =	vst.idx.add.f32.msk $0xffff, v4;
	v4 =	vmul.f32 v10, v1  }
0x33c: {  	[tilespmem:v22+s0+$0x0] =	vst.idx.add.f32.msk $0xffff, v5;
	v5 =	vmul.f32 v11, v1  }
0x33d: {  	[tilespmem:v25+s0+$0x0] =	vst.idx.add.f32.msk $0xffff, v4;
	v3 =	vmul.f32 v3, v1  }
0x33e: {  	v4 =	vmul.f32 v13, v1;
	[tilespmem:v26+s0+$0x0] =	vst.idx.add.f32.msk $0xffff, v5  }
0x33f: {  	[tilespmem:v24+s0+$0x0] =	vst.idx.add.f32.msk $0xffff, v3;
	v3 =	vmul.f32 v12, v1  }
0x340: {  	v5 =	vmul.f32 v14, v1;
	[tilespmem:v28+s0+$0x0] =	vst.idx.add.f32.msk $0xffff, v4  }
0x341: {  	[tilespmem:v27+s0+$0x0] =	vst.idx.add.f32.msk $0xffff, v3;
	v3 =	vmul.f32 v15, v1  }
0x342: {  	v4 =	vmul.f32 v16, v1;
	[tilespmem:v29+s0+$0x0] =	vst.idx.add.f32.msk $0xffff, v5  }
0x343: {  	[tilespmem:v30+s0+$0x0] =	vst.idx.add.f32.msk $0xffff, v3;
	v3 =	vmul.f32 v17, v1  }
0x344: {  	s8 =	simm.s32 $0x800;
	s6 =	simm.s32 $0x0;
	[tilespmem:v31+s0+$0x0] =	vst.idx.add.f32.msk $0xffff, v4  }
.LBB2_19:
0x345: {  	s9 =	sshra.s32 s8, $0x2;
	s6 =	sadd.s32 $0x10, s6;
	[tilespmem:v2+s0+$0x0] =	vst.idx.add.f32.msk $0xffff, v3  }
0x346: {  	v2 =	vld [tilespmem:s9+$0xE2F0];
	p1 =	slt.u32 s6, $0xF0  }
0x347: {  	v3 =	vld [tilespmem:s9+$0x62F0]  }
0x348: {  	v4 =	vld [tilespmem:s9+$0x6180]  }
0x349: {  	v5 =	vld [tilespmem:s9+$0x6190]  }
0x34a: {  	v6 =	vld [tilespmem:s9+$0x61A0]  }
0x34b: {  	v7 =	vld [tilespmem:s9+$0x61B0]  }
0x34c: {  	v8 =	vld [tilespmem:s9+$0x61C0];
	v3 =	vmul.f32 v3, v1  }
0x34d: {  	v4 =	vmul.f32 v4, v1;
	v9 =	vld [tilespmem:s9+$0x61D0]  }
0x34e: {  	v5 =	vmul.f32 v5, v1;
	[tilespmem:v2+s0+$0x0] =	vst.idx.add.f32.msk $0xffff, v3  }
0x34f: {  	v6 =	vmul.f32 v6, v1;
	v2 =	vld [tilespmem:s9+$0x61E0]  }
0x350: {  	v7 =	vmul.f32 v7, v1;
	v3 =	vld [tilespmem:s9+$0x61F0]  }
0x351: {  	v8 =	vmul.f32 v8, v1;
	v10 =	vld [tilespmem:s9+$0x6280]  }
0x352: {  	v9 =	vmul.f32 v9, v1;
	v11 =	vld [tilespmem:s9+$0x6290]  }
0x353: {  	v12 =	vld [tilespmem:s9+$0x62A0]  }
0x354: {  	v13 =	vmul.f32 v2, v1;
	v2 =	vld [tilespmem:s9+$0x62B0]  }
0x355: {  	v14 =	vmul.f32 v3, v1;
	v3 =	vld [tilespmem:s9+$0x62C0]  }
0x356: {  	v10 =	vmul.f32 v10, v1;
	v15 =	vld [tilespmem:s9+$0x62D0]  }
0x357: {  	v11 =	vmul.f32 v11, v1;
	v16 =	vld [tilespmem:s9+$0x62E0]  }
0x358: {  	v17 =	vld [tilespmem:s9+$0xE180];
	v12 =	vmul.f32 v12, v1  }
0x359: {  	v18 =	vld [tilespmem:s9+$0xE190];
	v19 =	vmul.f32 v2, v1  }
0x35a: {  	v20 =	vld [tilespmem:s9+$0xE1A0];
	v21 =	vmul.f32 v3, v1  }
0x35b: {  	v22 =	vld [tilespmem:s9+$0xE1B0];
	v15 =	vmul.f32 v15, v1  }
0x35c: {  	v23 =	vld [tilespmem:s9+$0xE1C0];
	v3 =	vmul.f32 v16, v1  }
0x35d: {  	v16 =	vld [tilespmem:s9+$0xE1D0]  }
0x35e: {  	v24 =	vld [tilespmem:s9+$0xE1E0]  }
0x35f: {  	v25 =	vld [tilespmem:s9+$0xE1F0]  }
0x360: {  	v26 =	vld [tilespmem:s9+$0xE280]  }
0x361: {  	v27 =	vld [tilespmem:s9+$0xE290]  }
0x362: {  	v28 =	vld [tilespmem:s9+$0xE2A0]  }
0x363: {  	v29 =	vld [tilespmem:s9+$0xE2B0]  }
0x364: {  	v30 =	vld [tilespmem:s9+$0xE2C0]  }
0x365: {  	v31 =	vld [tilespmem:s9+$0xE2D0]  }
0x366: {  	v2 =	vld [tilespmem:s9+$0xE2E0]  }
0x367: {  	[tilespmem:v17+s0+$0x0] =	vst.idx.add.f32.msk $0xffff, v4  }
0x368: {  	[tilespmem:v18+s0+$0x0] =	vst.idx.add.f32.msk $0xffff, v5  }
0x369: {  	[tilespmem:v20+s0+$0x0] =	vst.idx.add.f32.msk $0xffff, v6  }
0x36a: {  	[tilespmem:v22+s0+$0x0] =	vst.idx.add.f32.msk $0xffff, v7  }
0x36b: {  	[tilespmem:v23+s0+$0x0] =	vst.idx.add.f32.msk $0xffff, v8  }
0x36c: {  	[tilespmem:v16+s0+$0x0] =	vst.idx.add.f32.msk $0xffff, v9  }
0x36d: {  	[tilespmem:v24+s0+$0x0] =	vst.idx.add.f32.msk $0xffff, v13  }
0x36e: {  	[tilespmem:v25+s0+$0x0] =	vst.idx.add.f32.msk $0xffff, v14  }
0x36f: {  	[tilespmem:v26+s0+$0x0] =	vst.idx.add.f32.msk $0xffff, v10  }
.Ltmp10:
0x370: {  	[tilespmem:v27+s0+$0x0] =	vst.idx.add.f32.msk $0xffff, v11;
	(pc) =	sbr.rel @p1 .LBB2_19-.Ltmp10, $4  }
0x371: {  	[tilespmem:v28+s0+$0x0] =	vst.idx.add.f32.msk $0xffff, v12  }
0x372: {  	[tilespmem:v29+s0+$0x0] =	vst.idx.add.f32.msk $0xffff, v19  }
0x373: {  	[tilespmem:v30+s0+$0x0] =	vst.idx.add.f32.msk $0xffff, v21  }
0x374: {  	s8 =	sadd.s32 $0x800, s8;
	[tilespmem:v31+s0+$0x0] =	vst.idx.add.f32.msk $0xffff, v15  }
.Ltmp11:
0x375: {  	_ = 	snop;
	(pc) =	sbr.rel @p0 .LBB2_22-.Ltmp11, $2  }
0x376: {  	_ =	sdelay $0x2  }
0x377: {  	[tilespmem:v2+s0+$0x0] =	vst.idx.add.f32.msk $0xffff, v3  }
0x378: {  	s6 =	sadd.s32 s7, s14  }
.Ltmp12:
0x379: {  	s6 =	sor.u32 $0x60, s6;
	(pc) =	sbr.rel .LBB2_4-.Ltmp12, $4  }
0x37a: {  	s12 =	sadd.s32 s1, s6  }
0x37b: {  	[tilespmem:s28], [sflag:$0x4] =	stream.strided.gather [hbm4b:s12+s21], $0x2000, s20, s21, $0x38;
	[tilespmem:$0x14100] =	vst v63  }
0x37c: {  	s5 =	sadd.s32 $0x1, s5;
	s6 =	sadd.s32 s2, s6  }
0x37d: {  	[tilespmem:s29], [sflag:$0x8] =	stream.strided.gather [hbm4b:s6+s21], $0x2000, s20, s21, $0x38;
	[tilespmem:$0x14100] =	vst v63  }
.LBB2_23:
0x37e: {  	_ =	sfence.sel $0x180000  }
0x37f: {  	[bflag:$0x0] =	sbarrier.arrive $0xFFFF  }
0x380: {  	_ =	strace $0x90000047  }
0x381: {  	s0 =	stileid.u32;
	[bflag:$0x2] =	sbarrier.arrive $0xFFFF  }
0x382: {  	p0 =	sne.s32 s0, $0x0;
	s0 =	rddreg [dreg:$0x4]  }
0x383: {  	s0 =	sadd.s32 @!p0 $0x100000, s0  }
0x384: {  	[sflag:s0] =	ssyncadd.tile.s32 @!p0 $0x1;
	_ =	shalt  }
.Lfunc_end2:
_tile_overlayer_lowered:
.L_overlay_start_2:
0x385: {  	(tag) =	ssettag $0x2  }
0x386: {  	s0 =	rddreg [dreg:$0x0];
	s2 =	stileid.u32  }
0x387: {  	s1 =	rddreg [dreg:$0x1];
	p0 =	sne.s32 s2, $0x0  }
0x388: {  	s3 =	rddreg [dreg:$0x2];
	[bflag:$0x3] =	sbarrier.arrive $0xFFFF;
	s2 =	simm.s32 @!p0 $0x1C09  }
0x389: {  	[timem:s3], [sflag:s2] =	dma.local @!p0 [hbm:s0], s1  }
0x38a: {  	s0 =	simm.s32 @!p0 $0x9  }
0x38b: {  	_ =	swait.ge @!p0 [sflag:s0], s1  }
0x38c: {  	s1 =	ssub.s32 @!p0 $0x0, s1;
	[sflag:s0] =	ssyncset.done @!p0 $0x0  }
0x38d: {  	[sflag:s0] =	ssyncadd.s32 @!p0 s1  }
0x38e: {  	[bflag:$0x3] =	sbarrier.arrive $0xFFFF  }
0x38f: {  	_ =	shalt  }

</sc_bundles>
